<compile_context>
chip_gen: v7x
topology: tpu7x:2x2x1
jax: 0.10.2.dev20260603
libtpu: 0.0.44.dev20260713+nightly
codegen_flags: <defaults>
</compile_context>

<pallas_src>
import functools
import math

import jax
import jax.numpy as jnp
from jax import lax
from jax.experimental import pallas as pl
from jax.experimental.pallas import tpu as pltpu
from jax.experimental.pallas import tpu_sc as plsc

N_AZ, N_EL, N_RAD = 4, 2, 2
RADIUS = 0.05
AZ_SCALE = N_AZ / (2.0 * math.pi)
EL_SCALE = N_EL / math.pi
NBINS = N_AZ * N_EL * N_RAD

_CH = 128
_NB = 4


def _sc_gather(dbp, feat, idx):
    R = idx.shape[0]
    info = plsc.get_sparse_core_info()
    nc = info.num_cores
    nw = nc * info.num_subcores
    per_w = R // nw
    n_ch = per_w // _CH

    mesh = plsc.VectorSubcoreMesh(core_axis_name="c", subcore_axis_name="s")

    @functools.partial(
        pl.kernel,
        mesh=mesh,
        out_type=(
            jax.ShapeDtypeStruct((R, 8), jnp.float32),
            jax.ShapeDtypeStruct((R, 16), jnp.float32),
        ),
        scratch_types=[
            pltpu.VMEM((per_w,), jnp.int32),
            pltpu.VMEM((_NB, _CH, 8), jnp.float32),
            pltpu.VMEM((_NB, _CH, 16), jnp.float32),
            pltpu.SemaphoreType.DMA,
            pltpu.SemaphoreType.DMA,
        ],
        compiler_params=pltpu.CompilerParams(use_tc_tiling_on_sc=False),
    )
    def k(dbp_hbm, feat_hbm, idx_hbm, outp_hbm, outf_hbm,
          idx_v, pos_v, fea_v, sem1, sem2):
        wid = lax.axis_index("s") * nc + lax.axis_index("c")
        base = wid * per_w
        pltpu.sync_copy(idx_hbm.at[pl.ds(base, per_w)], idx_v)

        def body(t, carry):
            cps = []
            for b in range(_NB):
                off = (t * _NB + b) * _CH
                cps.append(pltpu.async_copy(
                    dbp_hbm.at[idx_v.at[pl.ds(off, _CH)]], pos_v.at[b], sem1))
                cps.append(pltpu.async_copy(
                    feat_hbm.at[idx_v.at[pl.ds(off, _CH)]], fea_v.at[b], sem2))
            for cp in cps:
                cp.wait()
            for b in range(_NB):
                off = (t * _NB + b) * _CH
                pltpu.sync_copy(pos_v.at[b], outp_hbm.at[pl.ds(base + off, _CH)])
                pltpu.sync_copy(fea_v.at[b], outf_hbm.at[pl.ds(base + off, _CH)])
            return carry

        lax.fori_loop(0, n_ch // _NB, body, 0)

    return k(dbp, feat, idx)


def _tc_body(pos_ref, fea_ref, dist_ref, qry_ref, bw_ref, out_ref):
    f32 = jnp.float32
    Q = pos_ref.shape[0]
    pos = pos_ref[...]
    i0 = lax.broadcasted_iota(jnp.int32, (128, 16), 0)
    i1 = lax.broadcasted_iota(jnp.int32, (128, 16), 1)
    sx = (i0 == i1 * 8).astype(f32)
    sy = (i0 == i1 * 8 + 1).astype(f32)
    sz = (i0 == i1 * 8 + 2).astype(f32)
    x = jnp.dot(pos, sx, preferred_element_type=f32, precision=lax.Precision.HIGHEST)
    y = jnp.dot(pos, sy, preferred_element_type=f32, precision=lax.Precision.HIGHEST)
    z = jnp.dot(pos, sz, preferred_element_type=f32, precision=lax.Precision.HIGHEST)
    q = qry_ref[...]
    dx = x - q[:, 0:1]
    dy = y - q[:, 1:2]
    dz = z - q[:, 2:3]
    d = dist_ref[...]
    az = jnp.arctan2(dy, dx) + math.pi
    cz = jnp.clip(dz / (d + 1e-8), -1.0, 1.0)
    el = jnp.arctan2(jnp.sqrt(jnp.maximum(1.0 - cz * cz, 0.0)), cz)
    ab = az * AZ_SCALE
    eb = el * EL_SCALE
    rb = jnp.clip(d / RADIUS, 0.0, N_RAD - 1e-6)
    af = jnp.floor(ab)
    ef = jnp.floor(eb)
    rf = jnp.floor(rb)
    a_fr = ab - af
    e_fr = eb - ef
    r_fr = rb - rf
    a_in = 1.0 - a_fr
    e_in = 1.0 - e_fr
    r_in = 1.0 - r_fr
    ai = af.astype(jnp.int32)
    ei = ef.astype(jnp.int32)
    ri = rf.astype(jnp.int32)
    e0 = jnp.clip(ei, 0, N_EL - 1)
    e1 = jnp.clip(ei + 1, 0, N_EL - 1)
    r0 = jnp.clip(ri, 0, N_RAD - 1)
    r1 = jnp.clip(ri + 1, 0, N_RAD - 1)
    b0 = (ai % N_AZ) * N_EL
    b1 = ((ai + 1) % N_AZ) * N_EL
    coeffs = (a_in * e_in * r_in, a_fr * e_in * r_in,
              a_in * e_fr * r_in, a_fr * e_fr * r_in,
              a_in * e_in * r_fr, a_fr * e_in * r_fr,
              a_in * e_fr * r_fr, a_fr * e_fr * r_fr)
    bins = ((b0 + e0) * N_RAD + r0, (b1 + e0) * N_RAD + r0,
            (b0 + e1) * N_RAD + r0, (b1 + e1) * N_RAD + r0,
            (b0 + e0) * N_RAD + r1, (b1 + e0) * N_RAD + r1,
            (b0 + e1) * N_RAD + r1, (b1 + e1) * N_RAD + r1)
    j0 = lax.broadcasted_iota(jnp.int32, (16, 256), 0)
    j1 = lax.broadcasted_iota(jnp.int32, (16, 256), 1)
    ex = ((j1 // 16) == j0).astype(f32)
    band = (lax.broadcasted_iota(jnp.int32, (Q, 256), 1) % 16).astype(f32)
    wb = jnp.zeros((Q, 256), f32)
    for cj, bj in zip(coeffs, bins):
        cj_rep = jnp.dot(cj, ex, preferred_element_type=f32, precision=lax.Precision.HIGHEST)
        bj_rep = jnp.dot(bj.astype(f32), ex, preferred_element_type=f32, precision=lax.Precision.HIGHEST)
        wb = wb + cj_rep * (bj_rep == band).astype(f32)
    s = jnp.dot(wb, bw_ref[...], preferred_element_type=f32, precision=lax.Precision.HIGHEST)
    prod = fea_ref[...] * s
    k0 = lax.broadcasted_iota(jnp.int32, (256, 16), 0)
    k1 = lax.broadcasted_iota(jnp.int32, (256, 16), 1)
    rm = ((k0 % 16) == k1).astype(f32)
    out_ref[...] = jnp.dot(prod, rm, preferred_element_type=f32, precision=lax.Precision.HIGHEST)


def _tc_combine(posb, featb, distb, queryb, bw):
    BM = distb.shape[0]
    Q = 1024
    return pl.pallas_call(
        _tc_body,
        grid=(BM // Q,),
        in_specs=[
            pl.BlockSpec((Q, 128), lambda i: (i, 0)),
            pl.BlockSpec((Q, 256), lambda i: (i, 0)),
            pl.BlockSpec((Q, 16), lambda i: (i, 0)),
            pl.BlockSpec((Q, 3), lambda i: (i, 0)),
            pl.BlockSpec((256, 256), lambda i: (0, 0)),
        ],
        out_specs=pl.BlockSpec((Q, 16), lambda i: (i, 0)),
        out_shape=jax.ShapeDtypeStruct((BM, 16), jnp.float32),
    )(posb, featb, distb, queryb, bw)


def kernel(database, query, input_features, filter_weights,
           nn_index, nn_count, nn_dist):
    B, N, _ = database.shape
    _, M, K = nn_index.shape
    C = input_features.shape[-1]
    BM = B * M
    R = BM * K
    dbp = jnp.pad(database, ((0, 0), (0, 0), (0, 5))).reshape(B * N, 8)
    feat_t = input_features.reshape(B * N, C)
    idx = (nn_index
           + (jnp.arange(B, dtype=jnp.int32) * N)[:, None, None]).reshape(R)
    posg, featg = _sc_gather(dbp, feat_t, idx)
    posb = posg.reshape(BM, K * 8)
    featb = featg.reshape(BM, K * C)
    distb = nn_dist.reshape(BM, K)
    queryb = query.reshape(BM, 3)
    w = filter_weights.reshape(NBINS, C)
    bw = jnp.kron(jnp.eye(K, dtype=jnp.float32), w)
    out = _tc_combine(posb, featb, distb, queryb, bw)
    return out.reshape(B, M, C)

# --- scband reference (transcript-rebuilt; emitter-appended) ---
"""Pipeline reference for scband-fuzzy-sphere-16681652977959 (READ-ONLY COPY).

The authoritative reference and input builder live on the scoring server;
editing this copy changes nothing except your own understanding.
"""

import jax, jax.numpy as jnp
import numpy as np
import math

N_AZ, N_EL, N_RAD = 4, 2, 2
RADIUS = 0.05
AZ_SCALE = N_AZ / (2.0 * math.pi)
EL_SCALE = N_EL / math.pi
TOTAL_BINS = N_AZ * N_EL * N_RAD


def setup_inputs(seed: int = 0) -> dict:
    key = jax.random.key(seed)
    ks = jax.random.split(key, 7)
    B, N, M, K, C = 2, 8192, 8192, 16, 16
    database = jax.random.normal(ks[0], (B, N, 3), dtype=jnp.float32)
    query = jax.random.normal(ks[1], (B, M, 3), dtype=jnp.float32)
    input_features = jax.random.normal(ks[2], (B, N, C), dtype=jnp.float32)
    filter_weights = jax.random.normal(ks[3], (TOTAL_BINS, C, 1), dtype=jnp.float32) * 0.1
    nn_index = jax.random.randint(ks[4], (B, M, K), 0, N, dtype=jnp.int32)
    nn_count = jnp.full((B, M), K, dtype=jnp.int32)
    nn_dist = jax.random.uniform(ks[5], (B, M, K), dtype=jnp.float32) * (RADIUS * N_RAD)
    return {
        'database': database,
        'query': query,
        'input_features': input_features,
        'filter_weights': filter_weights,
        'nn_index': nn_index,
        'nn_count': nn_count,
        'nn_dist': nn_dist,
    }


def reference(database, query, input_features, filter_weights, nn_index, nn_count, nn_dist):
    B, M, K = nn_index.shape
    batch_idx = jnp.arange(B)[:, None, None]
    # ---- fuzzy_spherical_kernel ----
    neighbors = database[batch_idx, nn_index]  # [B, M, K, 3]
    relative_pos = neighbors - query[:, :, None, :]
    x = relative_pos[..., 0]
    y = relative_pos[..., 1]
    z = relative_pos[..., 2]
    azimuth = jnp.arctan2(y, x) + math.pi
    elevation = jnp.arccos(jnp.clip(z / (nn_dist + 1e-08), -1.0, 1.0))
    azimuth_bin = azimuth * AZ_SCALE
    elevation_bin = elevation * EL_SCALE
    radial_bin = jnp.clip(nn_dist / RADIUS, 0.0, N_RAD - 1e-06)
    a_floor_f = jnp.floor(azimuth_bin)
    e_floor_f = jnp.floor(elevation_bin)
    r_floor_f = jnp.floor(radial_bin)
    a_frac = azimuth_bin - a_floor_f
    e_frac = elevation_bin - e_floor_f
    r_frac = radial_bin - r_floor_f
    a_floor = a_floor_f.astype(jnp.int32)
    e_floor = e_floor_f.astype(jnp.int32)
    r_floor = r_floor_f.astype(jnp.int32)
    a_frac_inv = 1.0 - a_frac
    e_frac_inv = 1.0 - e_frac
    r_frac_inv = 1.0 - r_frac
    bin_coeff = jnp.stack([
        a_frac_inv * e_frac_inv * r_frac_inv,
        a_frac * e_frac_inv * r_frac_inv,
        a_frac_inv * e_frac * r_frac_inv,
        a_frac * e_frac * r_frac_inv,
        a_frac_inv * e_frac_inv * r_frac,
        a_frac * e_frac_inv * r_frac,
        a_frac_inv * e_frac * r_frac,
        a_frac * e_frac * r_frac,
    ], axis=-1)  # [B, M, K, 8]
    e_clamped = jnp.clip(e_floor, 0, N_EL - 1)
    e_clamped_p1 = jnp.clip(e_floor + 1, 0, N_EL - 1)
    r_clamped = jnp.clip(r_floor, 0, N_RAD - 1)
    r_clamped_p1 = jnp.clip(r_floor + 1, 0, N_RAD - 1)
    base_a = (a_floor % N_AZ) * N_EL
    base_a_p1 = ((a_floor + 1) % N_AZ) * N_EL
    bin_index = jnp.stack([
        (base_a + e_clamped) * N_RAD + r_clamped,
        (base_a_p1 + e_clamped) * N_RAD + r_clamped,
        (base_a + e_clamped_p1) * N_RAD + r_clamped,
        (base_a_p1 + e_clamped_p1) * N_RAD + r_clamped,
        (base_a + e_clamped) * N_RAD + r_clamped_p1,
        (base_a_p1 + e_clamped) * N_RAD + r_clamped_p1,
        (base_a + e_clamped_p1) * N_RAD + r_clamped_p1,
        (base_a_p1 + e_clamped_p1) * N_RAD + r_clamped_p1,
    ], axis=-1)  # [B, M, K, 8]
    # ---- fuzzy_depthwise_conv3d ----
    neighbor_features = input_features[batch_idx, nn_index]  # [B, M, K, C]
    weights = filter_weights[bin_index]  # [B, M, K, 8, C, 1]
    weighted = neighbor_features[:, :, :, None, :, None] * weights * bin_coeff[..., None, None]
    output = weighted.sum(axis=(2, 3)).squeeze(-1)  # [B, M, C]
    return output

if __name__ == "__main__":
    import jax
    _d = setup_inputs()
    print(jax.jit(kernel)(*tuple(_d.values())))

</pallas_src>

<mosaic_0001>
#map = affine_map<(d0, d1) -> (0, 0)>
#map1 = affine_map<(d0, d1) -> (0)>
module attributes {stable_mosaic.version = 14 : i64} {
  func.func @k(%arg0: i32, %arg1: i32, %arg2: memref<16384x8xf32, #tpu.memory_space<hbm>>, %arg3: memref<16384x16xf32, #tpu.memory_space<hbm>>, %arg4: memref<262144xi32, #tpu.memory_space<hbm>>, %arg5: memref<262144x8xf32, #tpu.memory_space<hbm>>, %arg6: memref<262144x16xf32, #tpu.memory_space<hbm>>, %arg7: memref<8192xi32, #tpu.memory_space<vmem>>, %arg8: memref<4x128x8xf32, #tpu.memory_space<vmem>>, %arg9: memref<4x128x16xf32, #tpu.memory_space<vmem>>, %arg10: memref<!tpu.dma_semaphore, #tpu.memory_space<semaphore_mem>>, %arg11: memref<!tpu.dma_semaphore, #tpu.memory_space<semaphore_mem>>) attributes {dimension_semantics = [#tpu.dimension_semantics<core_parallel>, #tpu.dimension_semantics<subcore_parallel>], iteration_bounds = array<i64: 2, 16>, scalar_prefetch = 0 : i64, scratch_operands = 5 : i64, tpu.core_type = #tpu.core_type<sc_vector_subcore>, window_params = [{transform_indices = #map}, {transform_indices = #map}, {transform_indices = #map1}, {transform_indices = #map}, {transform_indices = #map}]} {
    %mul3A = arith.constant 2 : i32
    %mul3A_0 = arith.muli %arg1, %mul3A : i32
    %add3A = arith.addi %mul3A_0, %arg0 : i32
    %mul3A_1 = arith.constant 8192 : i32
    %mul3A_2 = arith.muli %add3A, %mul3A_1 : i32
    "tpu.region"() ({
      %run_scoped3A = tpu.sem_alloc : memref<!tpu.dma_semaphore, #tpu.memory_space<semaphore_mem>>
      %dma_start3A = tpu.memref_slice %arg4[%mul3A_2] : memref<262144xi32, #tpu.memory_space<hbm>> -> memref<8192xi32, #tpu.memory_space<hbm>>
      %dma_start3A_8 = tpu.memref_slice %arg4[%mul3A_2] : memref<262144xi32, #tpu.memory_space<hbm>> -> memref<8192xi32, #tpu.memory_space<hbm>>
      tpu.enqueue_dma source(%dma_start3A_8 : memref<8192xi32, #tpu.memory_space<hbm>>) target(%arg7 : memref<8192xi32, #tpu.memory_space<vmem>>) target_semaphore(%run_scoped3A : memref<!tpu.dma_semaphore, #tpu.memory_space<semaphore_mem>>)
      %dma_wait3A = tpu.memref_slice %arg4[%mul3A_2] : memref<262144xi32, #tpu.memory_space<hbm>> -> memref<8192xi32, #tpu.memory_space<hbm>>
      %dma_wait3A_9 = tpu.memref_slice %arg4[%mul3A_2] : memref<262144xi32, #tpu.memory_space<hbm>> -> memref<8192xi32, #tpu.memory_space<hbm>>
      tpu.wait_dma2 semaphore(%run_scoped3A : memref<!tpu.dma_semaphore, #tpu.memory_space<semaphore_mem>>) src(%dma_wait3A_9 : memref<8192xi32, #tpu.memory_space<hbm>>) dst(%arg7 : memref<8192xi32, #tpu.memory_space<vmem>>)
      tpu.yield
    }) : () -> ()
    %scan3A = arith.constant 0 : i32
    %scan3A_3 = arith.constant 0 : i32
    %scan3A_4 = arith.constant 16 : i32
    %scan3A_5 = arith.addi %scan3A_3, %scan3A_4 : i32
    %scan3A_6 = arith.constant 1 : i32
    scf.for %scan3A_8 = %scan3A_3 to %scan3A_5 step %scan3A_6  : i32 {
      %mul3A_9 = arith.constant 4 : i32
      %mul3A_10 = arith.muli %scan3A_8, %mul3A_9 : i32
      %add3A_11 = arith.constant 0 : i32
      %add3A_12 = arith.addi %mul3A_10, %add3A_11 : i32
      %mul3A_13 = arith.constant 128 : i32
      %mul3A_14 = arith.muli %add3A_12, %mul3A_13 : i32
      %dma_start3A = arith.constant 0 : i32
      %dma_start3A_15 = arith.constant 0 : i32
      %dma_start3A_16 = arith.constant 0 : i32
      %dma_start3A_17 = tpu.memref_slice %arg8[%dma_start3A, %dma_start3A_15, %dma_start3A_16] : memref<4x128x8xf32, #tpu.memory_space<vmem>> -> memref<1x128x8xf32, #tpu.memory_space<vmem>>
      %dma_start3A_18 = tpu.memref_squeeze %dma_start3A_17 : memref<1x128x8xf32, #tpu.memory_space<vmem>> -> memref<128x8xf32, #tpu.memory_space<vmem>>
      %dma_start3A_19 = tpu.memref_slice %arg7[%mul3A_14] : memref<8192xi32, #tpu.memory_space<vmem>> -> memref<128xi32, #tpu.memory_space<vmem>>
      %dma_start3A_20 = arith.constant 0 : i32
      %dma_start3A_21 = arith.constant 0 : i32
      %dma_start3A_22 = tpu.memref_slice %arg2[%dma_start3A_20, %dma_start3A_21] : memref<16384x8xf32, #tpu.memory_space<hbm>> -> memref<16384x8xf32, #tpu.memory_space<hbm>>
      tpu.enqueue_indirect_dma source(%dma_start3A_22 : memref<16384x8xf32, #tpu.memory_space<hbm>>) target(%dma_start3A_18 : memref<128x8xf32, #tpu.memory_space<vmem>>) offsets(%dma_start3A_19 : memref<128xi32, #tpu.memory_space<vmem>>) semaphore(%arg10 : memref<!tpu.dma_semaphore, #tpu.memory_space<semaphore_mem>>)
      %dma_start3A_23 = arith.constant 0 : i32
      %dma_start3A_24 = arith.constant 0 : i32
      %dma_start3A_25 = arith.constant 0 : i32
      %dma_start3A_26 = tpu.memref_slice %arg9[%dma_start3A_23, %dma_start3A_24, %dma_start3A_25] : memref<4x128x16xf32, #tpu.memory_space<vmem>> -> memref<1x128x16xf32, #tpu.memory_space<vmem>>
      %dma_start3A_27 = tpu.memref_squeeze %dma_start3A_26 : memref<1x128x16xf32, #tpu.memory_space<vmem>> -> memref<128x16xf32, #tpu.memory_space<vmem>>
      %dma_start3A_28 = tpu.memref_slice %arg7[%mul3A_14] : memref<8192xi32, #tpu.memory_space<vmem>> -> memref<128xi32, #tpu.memory_space<vmem>>
      %dma_start3A_29 = arith.constant 0 : i32
      %dma_start3A_30 = arith.constant 0 : i32
      %dma_start3A_31 = tpu.memref_slice %arg3[%dma_start3A_29, %dma_start3A_30] : memref<16384x16xf32, #tpu.memory_space<hbm>> -> memref<16384x16xf32, #tpu.memory_space<hbm>>
      tpu.enqueue_indirect_dma source(%dma_start3A_31 : memref<16384x16xf32, #tpu.memory_space<hbm>>) target(%dma_start3A_27 : memref<128x16xf32, #tpu.memory_space<vmem>>) offsets(%dma_start3A_28 : memref<128xi32, #tpu.memory_space<vmem>>) semaphore(%arg11 : memref<!tpu.dma_semaphore, #tpu.memory_space<semaphore_mem>>)
      %mul3A_32 = arith.constant 4 : i32
      %mul3A_33 = arith.muli %scan3A_8, %mul3A_32 : i32
      %add3A_34 = arith.constant 1 : i32
      %add3A_35 = arith.addi %mul3A_33, %add3A_34 : i32
      %mul3A_36 = arith.constant 128 : i32
      %mul3A_37 = arith.muli %add3A_35, %mul3A_36 : i32
      %dma_start3A_38 = arith.constant 1 : i32
      %dma_start3A_39 = arith.constant 0 : i32
      %dma_start3A_40 = arith.constant 0 : i32
      %dma_start3A_41 = tpu.memref_slice %arg8[%dma_start3A_38, %dma_start3A_39, %dma_start3A_40] : memref<4x128x8xf32, #tpu.memory_space<vmem>> -> memref<1x128x8xf32, #tpu.memory_space<vmem>>
      %dma_start3A_42 = tpu.memref_squeeze %dma_start3A_41 : memref<1x128x8xf32, #tpu.memory_space<vmem>> -> memref<128x8xf32, #tpu.memory_space<vmem>>
      %dma_start3A_43 = tpu.memref_slice %arg7[%mul3A_37] : memref<8192xi32, #tpu.memory_space<vmem>> -> memref<128xi32, #tpu.memory_space<vmem>>
      %dma_start3A_44 = arith.constant 0 : i32
      %dma_start3A_45 = arith.constant 0 : i32
      %dma_start3A_46 = tpu.memref_slice %arg2[%dma_start3A_44, %dma_start3A_45] : memref<16384x8xf32, #tpu.memory_space<hbm>> -> memref<16384x8xf32, #tpu.memory_space<hbm>>
      tpu.enqueue_indirect_dma source(%dma_start3A_46 : memref<16384x8xf32, #tpu.memory_space<hbm>>) target(%dma_start3A_42 : memref<128x8xf32, #tpu.memory_space<vmem>>) offsets(%dma_start3A_43 : memref<128xi32, #tpu.memory_space<vmem>>) semaphore(%arg10 : memref<!tpu.dma_semaphore, #tpu.memory_space<semaphore_mem>>)
      %dma_start3A_47 = arith.constant 1 : i32
      %dma_start3A_48 = arith.constant 0 : i32
      %dma_start3A_49 = arith.constant 0 : i32
      %dma_start3A_50 = tpu.memref_slice %arg9[%dma_start3A_47, %dma_start3A_48, %dma_start3A_49] : memref<4x128x16xf32, #tpu.memory_space<vmem>> -> memref<1x128x16xf32, #tpu.memory_space<vmem>>
      %dma_start3A_51 = tpu.memref_squeeze %dma_start3A_50 : memref<1x128x16xf32, #tpu.memory_space<vmem>> -> memref<128x16xf32, #tpu.memory_space<vmem>>
      %dma_start3A_52 = tpu.memref_slice %arg7[%mul3A_37] : memref<8192xi32, #tpu.memory_space<vmem>> -> memref<128xi32, #tpu.memory_space<vmem>>
      %dma_start3A_53 = arith.constant 0 : i32
      %dma_start3A_54 = arith.constant 0 : i32
      %dma_start3A_55 = tpu.memref_slice %arg3[%dma_start3A_53, %dma_start3A_54] : memref<16384x16xf32, #tpu.memory_space<hbm>> -> memref<16384x16xf32, #tpu.memory_space<hbm>>
      tpu.enqueue_indirect_dma source(%dma_start3A_55 : memref<16384x16xf32, #tpu.memory_space<hbm>>) target(%dma_start3A_51 : memref<128x16xf32, #tpu.memory_space<vmem>>) offsets(%dma_start3A_52 : memref<128xi32, #tpu.memory_space<vmem>>) semaphore(%arg11 : memref<!tpu.dma_semaphore, #tpu.memory_space<semaphore_mem>>)
      %mul3A_56 = arith.constant 4 : i32
      %mul3A_57 = arith.muli %scan3A_8, %mul3A_56 : i32
      %add3A_58 = arith.constant 2 : i32
      %add3A_59 = arith.addi %mul3A_57, %add3A_58 : i32
      %mul3A_60 = arith.constant 128 : i32
      %mul3A_61 = arith.muli %add3A_59, %mul3A_60 : i32
      %dma_start3A_62 = arith.constant 2 : i32
      %dma_start3A_63 = arith.constant 0 : i32
      %dma_start3A_64 = arith.constant 0 : i32
      %dma_start3A_65 = tpu.memref_slice %arg8[%dma_start3A_62, %dma_start3A_63, %dma_start3A_64] : memref<4x128x8xf32, #tpu.memory_space<vmem>> -> memref<1x128x8xf32, #tpu.memory_space<vmem>>
      %dma_start3A_66 = tpu.memref_squeeze %dma_start3A_65 : memref<1x128x8xf32, #tpu.memory_space<vmem>> -> memref<128x8xf32, #tpu.memory_space<vmem>>
      %dma_start3A_67 = tpu.memref_slice %arg7[%mul3A_61] : memref<8192xi32, #tpu.memory_space<vmem>> -> memref<128xi32, #tpu.memory_space<vmem>>
      %dma_start3A_68 = arith.constant 0 : i32
      %dma_start3A_69 = arith.constant 0 : i32
      %dma_start3A_70 = tpu.memref_slice %arg2[%dma_start3A_68, %dma_start3A_69] : memref<16384x8xf32, #tpu.memory_space<hbm>> -> memref<16384x8xf32, #tpu.memory_space<hbm>>
      tpu.enqueue_indirect_dma source(%dma_start3A_70 : memref<16384x8xf32, #tpu.memory_space<hbm>>) target(%dma_start3A_66 : memref<128x8xf32, #tpu.memory_space<vmem>>) offsets(%dma_start3A_67 : memref<128xi32, #tpu.memory_space<vmem>>) semaphore(%arg10 : memref<!tpu.dma_semaphore, #tpu.memory_space<semaphore_mem>>)
      %dma_start3A_71 = arith.constant 2 : i32
      %dma_start3A_72 = arith.constant 0 : i32
      %dma_start3A_73 = arith.constant 0 : i32
      %dma_start3A_74 = tpu.memref_slice %arg9[%dma_start3A_71, %dma_start3A_72, %dma_start3A_73] : memref<4x128x16xf32, #tpu.memory_space<vmem>> -> memref<1x128x16xf32, #tpu.memory_space<vmem>>
      %dma_start3A_75 = tpu.memref_squeeze %dma_start3A_74 : memref<1x128x16xf32, #tpu.memory_space<vmem>> -> memref<128x16xf32, #tpu.memory_space<vmem>>
      %dma_start3A_76 = tpu.memref_slice %arg7[%mul3A_61] : memref<8192xi32, #tpu.memory_space<vmem>> -> memref<128xi32, #tpu.memory_space<vmem>>
      %dma_start3A_77 = arith.constant 0 : i32
      %dma_start3A_78 = arith.constant 0 : i32
      %dma_start3A_79 = tpu.memref_slice %arg3[%dma_start3A_77, %dma_start3A_78] : memref<16384x16xf32, #tpu.memory_space<hbm>> -> memref<16384x16xf32, #tpu.memory_space<hbm>>
      tpu.enqueue_indirect_dma source(%dma_start3A_79 : memref<16384x16xf32, #tpu.memory_space<hbm>>) target(%dma_start3A_75 : memref<128x16xf32, #tpu.memory_space<vmem>>) offsets(%dma_start3A_76 : memref<128xi32, #tpu.memory_space<vmem>>) semaphore(%arg11 : memref<!tpu.dma_semaphore, #tpu.memory_space<semaphore_mem>>)
      %mul3A_80 = arith.constant 4 : i32
      %mul3A_81 = arith.muli %scan3A_8, %mul3A_80 : i32
      %add3A_82 = arith.constant 3 : i32
      %add3A_83 = arith.addi %mul3A_81, %add3A_82 : i32
      %mul3A_84 = arith.constant 128 : i32
      %mul3A_85 = arith.muli %add3A_83, %mul3A_84 : i32
      %dma_start3A_86 = arith.constant 3 : i32
      %dma_start3A_87 = arith.constant 0 : i32
      %dma_start3A_88 = arith.constant 0 : i32
      %dma_start3A_89 = tpu.memref_slice %arg8[%dma_start3A_86, %dma_start3A_87, %dma_start3A_88] : memref<4x128x8xf32, #tpu.memory_space<vmem>> -> memref<1x128x8xf32, #tpu.memory_space<vmem>>
      %dma_start3A_90 = tpu.memref_squeeze %dma_start3A_89 : memref<1x128x8xf32, #tpu.memory_space<vmem>> -> memref<128x8xf32, #tpu.memory_space<vmem>>
      %dma_start3A_91 = tpu.memref_slice %arg7[%mul3A_85] : memref<8192xi32, #tpu.memory_space<vmem>> -> memref<128xi32, #tpu.memory_space<vmem>>
      %dma_start3A_92 = arith.constant 0 : i32
      %dma_start3A_93 = arith.constant 0 : i32
      %dma_start3A_94 = tpu.memref_slice %arg2[%dma_start3A_92, %dma_start3A_93] : memref<16384x8xf32, #tpu.memory_space<hbm>> -> memref<16384x8xf32, #tpu.memory_space<hbm>>
      tpu.enqueue_indirect_dma source(%dma_start3A_94 : memref<16384x8xf32, #tpu.memory_space<hbm>>) target(%dma_start3A_90 : memref<128x8xf32, #tpu.memory_space<vmem>>) offsets(%dma_start3A_91 : memref<128xi32, #tpu.memory_space<vmem>>) semaphore(%arg10 : memref<!tpu.dma_semaphore, #tpu.memory_space<semaphore_mem>>)
      %dma_start3A_95 = arith.constant 3 : i32
      %dma_start3A_96 = arith.constant 0 : i32
      %dma_start3A_97 = arith.constant 0 : i32
      %dma_start3A_98 = tpu.memref_slice %arg9[%dma_start3A_95, %dma_start3A_96, %dma_start3A_97] : memref<4x128x16xf32, #tpu.memory_space<vmem>> -> memref<1x128x16xf32, #tpu.memory_space<vmem>>
      %dma_start3A_99 = tpu.memref_squeeze %dma_start3A_98 : memref<1x128x16xf32, #tpu.memory_space<vmem>> -> memref<128x16xf32, #tpu.memory_space<vmem>>
      %dma_start3A_100 = tpu.memref_slice %arg7[%mul3A_85] : memref<8192xi32, #tpu.memory_space<vmem>> -> memref<128xi32, #tpu.memory_space<vmem>>
      %dma_start3A_101 = arith.constant 0 : i32
      %dma_start3A_102 = arith.constant 0 : i32
      %dma_start3A_103 = tpu.memref_slice %arg3[%dma_start3A_101, %dma_start3A_102] : memref<16384x16xf32, #tpu.memory_space<hbm>> -> memref<16384x16xf32, #tpu.memory_space<hbm>>
      tpu.enqueue_indirect_dma source(%dma_start3A_103 : memref<16384x16xf32, #tpu.memory_space<hbm>>) target(%dma_start3A_99 : memref<128x16xf32, #tpu.memory_space<vmem>>) offsets(%dma_start3A_100 : memref<128xi32, #tpu.memory_space<vmem>>) semaphore(%arg11 : memref<!tpu.dma_semaphore, #tpu.memory_space<semaphore_mem>>)
      %dma_wait3A = arith.constant 0 : i32
      %dma_wait3A_104 = arith.constant 0 : i32
      %dma_wait3A_105 = arith.constant 0 : i32
      %dma_wait3A_106 = tpu.memref_slice %arg8[%dma_wait3A, %dma_wait3A_104, %dma_wait3A_105] : memref<4x128x8xf32, #tpu.memory_space<vmem>> -> memref<1x128x8xf32, #tpu.memory_space<vmem>>
      %dma_wait3A_107 = tpu.memref_squeeze %dma_wait3A_106 : memref<1x128x8xf32, #tpu.memory_space<vmem>> -> memref<128x8xf32, #tpu.memory_space<vmem>>
      %dma_wait3A_108 = tpu.memref_slice %arg7[%mul3A_14] : memref<8192xi32, #tpu.memory_space<vmem>> -> memref<128xi32, #tpu.memory_space<vmem>>
      %dma_wait3A_109 = arith.constant 0 : i32
      %dma_wait3A_110 = arith.constant 0 : i32
      %dma_wait3A_111 = tpu.memref_slice %arg2[%dma_wait3A_109, %dma_wait3A_110] : memref<16384x8xf32, #tpu.memory_space<hbm>> -> memref<16384x8xf32, #tpu.memory_space<hbm>>
      tpu.wait_indirect_dma semaphore(%arg10 : memref<!tpu.dma_semaphore, #tpu.memory_space<semaphore_mem>>) src(%dma_wait3A_111 : memref<16384x8xf32, #tpu.memory_space<hbm>>) dst(%dma_wait3A_107 : memref<128x8xf32, #tpu.memory_space<vmem>>)
      %dma_wait3A_112 = arith.constant 0 : i32
      %dma_wait3A_113 = arith.constant 0 : i32
      %dma_wait3A_114 = arith.constant 0 : i32
      %dma_wait3A_115 = tpu.memref_slice %arg9[%dma_wait3A_112, %dma_wait3A_113, %dma_wait3A_114] : memref<4x128x16xf32, #tpu.memory_space<vmem>> -> memref<1x128x16xf32, #tpu.memory_space<vmem>>
      %dma_wait3A_116 = tpu.memref_squeeze %dma_wait3A_115 : memref<1x128x16xf32, #tpu.memory_space<vmem>> -> memref<128x16xf32, #tpu.memory_space<vmem>>
      %dma_wait3A_117 = tpu.memref_slice %arg7[%mul3A_14] : memref<8192xi32, #tpu.memory_space<vmem>> -> memref<128xi32, #tpu.memory_space<vmem>>
      %dma_wait3A_118 = arith.constant 0 : i32
      %dma_wait3A_119 = arith.constant 0 : i32
      %dma_wait3A_120 = tpu.memref_slice %arg3[%dma_wait3A_118, %dma_wait3A_119] : memref<16384x16xf32, #tpu.memory_space<hbm>> -> memref<16384x16xf32, #tpu.memory_space<hbm>>
      tpu.wait_indirect_dma semaphore(%arg11 : memref<!tpu.dma_semaphore, #tpu.memory_space<semaphore_mem>>) src(%dma_wait3A_120 : memref<16384x16xf32, #tpu.memory_space<hbm>>) dst(%dma_wait3A_116 : memref<128x16xf32, #tpu.memory_space<vmem>>)
      %dma_wait3A_121 = arith.constant 1 : i32
      %dma_wait3A_122 = arith.constant 0 : i32
      %dma_wait3A_123 = arith.constant 0 : i32
      %dma_wait3A_124 = tpu.memref_slice %arg8[%dma_wait3A_121, %dma_wait3A_122, %dma_wait3A_123] : memref<4x128x8xf32, #tpu.memory_space<vmem>> -> memref<1x128x8xf32, #tpu.memory_space<vmem>>
      %dma_wait3A_125 = tpu.memref_squeeze %dma_wait3A_124 : memref<1x128x8xf32, #tpu.memory_space<vmem>> -> memref<128x8xf32, #tpu.memory_space<vmem>>
      %dma_wait3A_126 = tpu.memref_slice %arg7[%mul3A_37] : memref<8192xi32, #tpu.memory_space<vmem>> -> memref<128xi32, #tpu.memory_space<vmem>>
      %dma_wait3A_127 = arith.constant 0 : i32
      %dma_wait3A_128 = arith.constant 0 : i32
      %dma_wait3A_129 = tpu.memref_slice %arg2[%dma_wait3A_127, %dma_wait3A_128] : memref<16384x8xf32, #tpu.memory_space<hbm>> -> memref<16384x8xf32, #tpu.memory_space<hbm>>
      tpu.wait_indirect_dma semaphore(%arg10 : memref<!tpu.dma_semaphore, #tpu.memory_space<semaphore_mem>>) src(%dma_wait3A_129 : memref<16384x8xf32, #tpu.memory_space<hbm>>) dst(%dma_wait3A_125 : memref<128x8xf32, #tpu.memory_space<vmem>>)
      %dma_wait3A_130 = arith.constant 1 : i32
      %dma_wait3A_131 = arith.constant 0 : i32
      %dma_wait3A_132 = arith.constant 0 : i32
      %dma_wait3A_133 = tpu.memref_slice %arg9[%dma_wait3A_130, %dma_wait3A_131, %dma_wait3A_132] : memref<4x128x16xf32, #tpu.memory_space<vmem>> -> memref<1x128x16xf32, #tpu.memory_space<vmem>>
      %dma_wait3A_134 = tpu.memref_squeeze %dma_wait3A_133 : memref<1x128x16xf32, #tpu.memory_space<vmem>> -> memref<128x16xf32, #tpu.memory_space<vmem>>
      %dma_wait3A_135 = tpu.memref_slice %arg7[%mul3A_37] : memref<8192xi32, #tpu.memory_space<vmem>> -> memref<128xi32, #tpu.memory_space<vmem>>
      %dma_wait3A_136 = arith.constant 0 : i32
      %dma_wait3A_137 = arith.constant 0 : i32
      %dma_wait3A_138 = tpu.memref_slice %arg3[%dma_wait3A_136, %dma_wait3A_137] : memref<16384x16xf32, #tpu.memory_space<hbm>> -> memref<16384x16xf32, #tpu.memory_space<hbm>>
      tpu.wait_indirect_dma semaphore(%arg11 : memref<!tpu.dma_semaphore, #tpu.memory_space<semaphore_mem>>) src(%dma_wait3A_138 : memref<16384x16xf32, #tpu.memory_space<hbm>>) dst(%dma_wait3A_134 : memref<128x16xf32, #tpu.memory_space<vmem>>)
      %dma_wait3A_139 = arith.constant 2 : i32
      %dma_wait3A_140 = arith.constant 0 : i32
      %dma_wait3A_141 = arith.constant 0 : i32
      %dma_wait3A_142 = tpu.memref_slice %arg8[%dma_wait3A_139, %dma_wait3A_140, %dma_wait3A_141] : memref<4x128x8xf32, #tpu.memory_space<vmem>> -> memref<1x128x8xf32, #tpu.memory_space<vmem>>
      %dma_wait3A_143 = tpu.memref_squeeze %dma_wait3A_142 : memref<1x128x8xf32, #tpu.memory_space<vmem>> -> memref<128x8xf32, #tpu.memory_space<vmem>>
      %dma_wait3A_144 = tpu.memref_slice %arg7[%mul3A_61] : memref<8192xi32, #tpu.memory_space<vmem>> -> memref<128xi32, #tpu.memory_space<vmem>>
      %dma_wait3A_145 = arith.constant 0 : i32
      %dma_wait3A_146 = arith.constant 0 : i32
      %dma_wait3A_147 = tpu.memref_slice %arg2[%dma_wait3A_145, %dma_wait3A_146] : memref<16384x8xf32, #tpu.memory_space<hbm>> -> memref<16384x8xf32, #tpu.memory_space<hbm>>
      tpu.wait_indirect_dma semaphore(%arg10 : memref<!tpu.dma_semaphore, #tpu.memory_space<semaphore_mem>>) src(%dma_wait3A_147 : memref<16384x8xf32, #tpu.memory_space<hbm>>) dst(%dma_wait3A_143 : memref<128x8xf32, #tpu.memory_space<vmem>>)
      %dma_wait3A_148 = arith.constant 2 : i32
      %dma_wait3A_149 = arith.constant 0 : i32
      %dma_wait3A_150 = arith.constant 0 : i32
      %dma_wait3A_151 = tpu.memref_slice %arg9[%dma_wait3A_148, %dma_wait3A_149, %dma_wait3A_150] : memref<4x128x16xf32, #tpu.memory_space<vmem>> -> memref<1x128x16xf32, #tpu.memory_space<vmem>>
      %dma_wait3A_152 = tpu.memref_squeeze %dma_wait3A_151 : memref<1x128x16xf32, #tpu.memory_space<vmem>> -> memref<128x16xf32, #tpu.memory_space<vmem>>
      %dma_wait3A_153 = tpu.memref_slice %arg7[%mul3A_61] : memref<8192xi32, #tpu.memory_space<vmem>> -> memref<128xi32, #tpu.memory_space<vmem>>
      %dma_wait3A_154 = arith.constant 0 : i32
      %dma_wait3A_155 = arith.constant 0 : i32
      %dma_wait3A_156 = tpu.memref_slice %arg3[%dma_wait3A_154, %dma_wait3A_155] : memref<16384x16xf32, #tpu.memory_space<hbm>> -> memref<16384x16xf32, #tpu.memory_space<hbm>>
      tpu.wait_indirect_dma semaphore(%arg11 : memref<!tpu.dma_semaphore, #tpu.memory_space<semaphore_mem>>) src(%dma_wait3A_156 : memref<16384x16xf32, #tpu.memory_space<hbm>>) dst(%dma_wait3A_152 : memref<128x16xf32, #tpu.memory_space<vmem>>)
      %dma_wait3A_157 = arith.constant 3 : i32
      %dma_wait3A_158 = arith.constant 0 : i32
      %dma_wait3A_159 = arith.constant 0 : i32
      %dma_wait3A_160 = tpu.memref_slice %arg8[%dma_wait3A_157, %dma_wait3A_158, %dma_wait3A_159] : memref<4x128x8xf32, #tpu.memory_space<vmem>> -> memref<1x128x8xf32, #tpu.memory_space<vmem>>
      %dma_wait3A_161 = tpu.memref_squeeze %dma_wait3A_160 : memref<1x128x8xf32, #tpu.memory_space<vmem>> -> memref<128x8xf32, #tpu.memory_space<vmem>>
      %dma_wait3A_162 = tpu.memref_slice %arg7[%mul3A_85] : memref<8192xi32, #tpu.memory_space<vmem>> -> memref<128xi32, #tpu.memory_space<vmem>>
      %dma_wait3A_163 = arith.constant 0 : i32
      %dma_wait3A_164 = arith.constant 0 : i32
      %dma_wait3A_165 = tpu.memref_slice %arg2[%dma_wait3A_163, %dma_wait3A_164] : memref<16384x8xf32, #tpu.memory_space<hbm>> -> memref<16384x8xf32, #tpu.memory_space<hbm>>
      tpu.wait_indirect_dma semaphore(%arg10 : memref<!tpu.dma_semaphore, #tpu.memory_space<semaphore_mem>>) src(%dma_wait3A_165 : memref<16384x8xf32, #tpu.memory_space<hbm>>) dst(%dma_wait3A_161 : memref<128x8xf32, #tpu.memory_space<vmem>>)
      %dma_wait3A_166 = arith.constant 3 : i32
      %dma_wait3A_167 = arith.constant 0 : i32
      %dma_wait3A_168 = arith.constant 0 : i32
      %dma_wait3A_169 = tpu.memref_slice %arg9[%dma_wait3A_166, %dma_wait3A_167, %dma_wait3A_168] : memref<4x128x16xf32, #tpu.memory_space<vmem>> -> memref<1x128x16xf32, #tpu.memory_space<vmem>>
      %dma_wait3A_170 = tpu.memref_squeeze %dma_wait3A_169 : memref<1x128x16xf32, #tpu.memory_space<vmem>> -> memref<128x16xf32, #tpu.memory_space<vmem>>
      %dma_wait3A_171 = tpu.memref_slice %arg7[%mul3A_85] : memref<8192xi32, #tpu.memory_space<vmem>> -> memref<128xi32, #tpu.memory_space<vmem>>
      %dma_wait3A_172 = arith.constant 0 : i32
      %dma_wait3A_173 = arith.constant 0 : i32
      %dma_wait3A_174 = tpu.memref_slice %arg3[%dma_wait3A_172, %dma_wait3A_173] : memref<16384x16xf32, #tpu.memory_space<hbm>> -> memref<16384x16xf32, #tpu.memory_space<hbm>>
      tpu.wait_indirect_dma semaphore(%arg11 : memref<!tpu.dma_semaphore, #tpu.memory_space<semaphore_mem>>) src(%dma_wait3A_174 : memref<16384x16xf32, #tpu.memory_space<hbm>>) dst(%dma_wait3A_170 : memref<128x16xf32, #tpu.memory_space<vmem>>)
      %mul3A_175 = arith.constant 4 : i32
      %mul3A_176 = arith.muli %scan3A_8, %mul3A_175 : i32
      %add3A_177 = arith.constant 0 : i32
      %add3A_178 = arith.addi %mul3A_176, %add3A_177 : i32
      %mul3A_179 = arith.constant 128 : i32
      %mul3A_180 = arith.muli %add3A_178, %mul3A_179 : i32
      %add3A_181 = arith.addi %mul3A_2, %mul3A_180 : i32
      %run_scoped3A = arith.constant 0 : i32
      "tpu.region"() ({
        %run_scoped3A_214 = tpu.sem_alloc : memref<!tpu.dma_semaphore, #tpu.memory_space<semaphore_mem>>
        %dma_start3A_215 = arith.constant 0 : i32
        %dma_start3A_216 = arith.constant 0 : i32
        %dma_start3A_217 = tpu.memref_slice %arg8[%run_scoped3A, %dma_start3A_215, %dma_start3A_216] : memref<4x128x8xf32, #tpu.memory_space<vmem>> -> memref<1x128x8xf32, #tpu.memory_space<vmem>>
        %dma_start3A_218 = tpu.memref_squeeze %dma_start3A_217 : memref<1x128x8xf32, #tpu.memory_space<vmem>> -> memref<128x8xf32, #tpu.memory_space<vmem>>
        %dma_start3A_219 = arith.constant 0 : i32
        %dma_start3A_220 = tpu.memref_slice %arg5[%add3A_181, %dma_start3A_219] : memref<262144x8xf32, #tpu.memory_space<hbm>> -> memref<128x8xf32, #tpu.memory_space<hbm>>
        %dma_start3A_221 = arith.constant 0 : i32
        %dma_start3A_222 = tpu.memref_slice %arg5[%add3A_181, %dma_start3A_221] : memref<262144x8xf32, #tpu.memory_space<hbm>> -> memref<128x8xf32, #tpu.memory_space<hbm>>
        %dma_start3A_223 = arith.constant 0 : i32
        %dma_start3A_224 = arith.constant 0 : i32
        %dma_start3A_225 = tpu.memref_slice %arg8[%run_scoped3A, %dma_start3A_223, %dma_start3A_224] : memref<4x128x8xf32, #tpu.memory_space<vmem>> -> memref<1x128x8xf32, #tpu.memory_space<vmem>>
        %dma_start3A_226 = tpu.memref_squeeze %dma_start3A_225 : memref<1x128x8xf32, #tpu.memory_space<vmem>> -> memref<128x8xf32, #tpu.memory_space<vmem>>
        tpu.enqueue_dma source(%dma_start3A_226 : memref<128x8xf32, #tpu.memory_space<vmem>>) target(%dma_start3A_222 : memref<128x8xf32, #tpu.memory_space<hbm>>) target_semaphore(%run_scoped3A_214 : memref<!tpu.dma_semaphore, #tpu.memory_space<semaphore_mem>>)
        %dma_wait3A_227 = arith.constant 0 : i32
        %dma_wait3A_228 = arith.constant 0 : i32
        %dma_wait3A_229 = tpu.memref_slice %arg8[%run_scoped3A, %dma_wait3A_227, %dma_wait3A_228] : memref<4x128x8xf32, #tpu.memory_space<vmem>> -> memref<1x128x8xf32, #tpu.memory_space<vmem>>
        %dma_wait3A_230 = tpu.memref_squeeze %dma_wait3A_229 : memref<1x128x8xf32, #tpu.memory_space<vmem>> -> memref<128x8xf32, #tpu.memory_space<vmem>>
        %dma_wait3A_231 = arith.constant 0 : i32
        %dma_wait3A_232 = tpu.memref_slice %arg5[%add3A_181, %dma_wait3A_231] : memref<262144x8xf32, #tpu.memory_space<hbm>> -> memref<128x8xf32, #tpu.memory_space<hbm>>
        %dma_wait3A_233 = arith.constant 0 : i32
        %dma_wait3A_234 = tpu.memref_slice %arg5[%add3A_181, %dma_wait3A_233] : memref<262144x8xf32, #tpu.memory_space<hbm>> -> memref<128x8xf32, #tpu.memory_space<hbm>>
        %dma_wait3A_235 = arith.constant 0 : i32
        %dma_wait3A_236 = arith.constant 0 : i32
        %dma_wait3A_237 = tpu.memref_slice %arg8[%run_scoped3A, %dma_wait3A_235, %dma_wait3A_236] : memref<4x128x8xf32, #tpu.memory_space<vmem>> -> memref<1x128x8xf32, #tpu.memory_space<vmem>>
        %dma_wait3A_238 = tpu.memref_squeeze %dma_wait3A_237 : memref<1x128x8xf32, #tpu.memory_space<vmem>> -> memref<128x8xf32, #tpu.memory_space<vmem>>
        tpu.wait_dma2 semaphore(%run_scoped3A_214 : memref<!tpu.dma_semaphore, #tpu.memory_space<semaphore_mem>>) src(%dma_wait3A_238 : memref<128x8xf32, #tpu.memory_space<vmem>>) dst(%dma_wait3A_234 : memref<128x8xf32, #tpu.memory_space<hbm>>)
        tpu.yield
      }) : () -> ()
      %add3A_182 = arith.addi %mul3A_2, %mul3A_180 : i32
      %run_scoped3A_183 = arith.constant 0 : i32
      "tpu.region"() ({
        %run_scoped3A_214 = tpu.sem_alloc : memref<!tpu.dma_semaphore, #tpu.memory_space<semaphore_mem>>
        %dma_start3A_215 = arith.constant 0 : i32
        %dma_start3A_216 = arith.constant 0 : i32
        %dma_start3A_217 = tpu.memref_slice %arg9[%run_scoped3A_183, %dma_start3A_215, %dma_start3A_216] : memref<4x128x16xf32, #tpu.memory_space<vmem>> -> memref<1x128x16xf32, #tpu.memory_space<vmem>>
        %dma_start3A_218 = tpu.memref_squeeze %dma_start3A_217 : memref<1x128x16xf32, #tpu.memory_space<vmem>> -> memref<128x16xf32, #tpu.memory_space<vmem>>
        %dma_start3A_219 = arith.constant 0 : i32
        %dma_start3A_220 = tpu.memref_slice %arg6[%add3A_182, %dma_start3A_219] : memref<262144x16xf32, #tpu.memory_space<hbm>> -> memref<128x16xf32, #tpu.memory_space<hbm>>
        %dma_start3A_221 = arith.constant 0 : i32
        %dma_start3A_222 = tpu.memref_slice %arg6[%add3A_182, %dma_start3A_221] : memref<262144x16xf32, #tpu.memory_space<hbm>> -> memref<128x16xf32, #tpu.memory_space<hbm>>
        %dma_start3A_223 = arith.constant 0 : i32
        %dma_start3A_224 = arith.constant 0 : i32
        %dma_start3A_225 = tpu.memref_slice %arg9[%run_scoped3A_183, %dma_start3A_223, %dma_start3A_224] : memref<4x128x16xf32, #tpu.memory_space<vmem>> -> memref<1x128x16xf32, #tpu.memory_space<vmem>>
        %dma_start3A_226 = tpu.memref_squeeze %dma_start3A_225 : memref<1x128x16xf32, #tpu.memory_space<vmem>> -> memref<128x16xf32, #tpu.memory_space<vmem>>
        tpu.enqueue_dma source(%dma_start3A_226 : memref<128x16xf32, #tpu.memory_space<vmem>>) target(%dma_start3A_222 : memref<128x16xf32, #tpu.memory_space<hbm>>) target_semaphore(%run_scoped3A_214 : memref<!tpu.dma_semaphore, #tpu.memory_space<semaphore_mem>>)
        %dma_wait3A_227 = arith.constant 0 : i32
        %dma_wait3A_228 = arith.constant 0 : i32
        %dma_wait3A_229 = tpu.memref_slice %arg9[%run_scoped3A_183, %dma_wait3A_227, %dma_wait3A_228] : memref<4x128x16xf32, #tpu.memory_space<vmem>> -> memref<1x128x16xf32, #tpu.memory_space<vmem>>
        %dma_wait3A_230 = tpu.memref_squeeze %dma_wait3A_229 : memref<1x128x16xf32, #tpu.memory_space<vmem>> -> memref<128x16xf32, #tpu.memory_space<vmem>>
        %dma_wait3A_231 = arith.constant 0 : i32
        %dma_wait3A_232 = tpu.memref_slice %arg6[%add3A_182, %dma_wait3A_231] : memref<262144x16xf32, #tpu.memory_space<hbm>> -> memref<128x16xf32, #tpu.memory_space<hbm>>
        %dma_wait3A_233 = arith.constant 0 : i32
        %dma_wait3A_234 = tpu.memref_slice %arg6[%add3A_182, %dma_wait3A_233] : memref<262144x16xf32, #tpu.memory_space<hbm>> -> memref<128x16xf32, #tpu.memory_space<hbm>>
        %dma_wait3A_235 = arith.constant 0 : i32
        %dma_wait3A_236 = arith.constant 0 : i32
        %dma_wait3A_237 = tpu.memref_slice %arg9[%run_scoped3A_183, %dma_wait3A_235, %dma_wait3A_236] : memref<4x128x16xf32, #tpu.memory_space<vmem>> -> memref<1x128x16xf32, #tpu.memory_space<vmem>>
        %dma_wait3A_238 = tpu.memref_squeeze %dma_wait3A_237 : memref<1x128x16xf32, #tpu.memory_space<vmem>> -> memref<128x16xf32, #tpu.memory_space<vmem>>
        tpu.wait_dma2 semaphore(%run_scoped3A_214 : memref<!tpu.dma_semaphore, #tpu.memory_space<semaphore_mem>>) src(%dma_wait3A_238 : memref<128x16xf32, #tpu.memory_space<vmem>>) dst(%dma_wait3A_234 : memref<128x16xf32, #tpu.memory_space<hbm>>)
        tpu.yield
      }) : () -> ()
      %mul3A_184 = arith.constant 4 : i32
      %mul3A_185 = arith.muli %scan3A_8, %mul3A_184 : i32
      %add3A_186 = arith.constant 1 : i32
      %add3A_187 = arith.addi %mul3A_185, %add3A_186 : i32
      %mul3A_188 = arith.constant 128 : i32
      %mul3A_189 = arith.muli %add3A_187, %mul3A_188 : i32
      %add3A_190 = arith.addi %mul3A_2, %mul3A_189 : i32
      %run_scoped3A_191 = arith.constant 1 : i32
      "tpu.region"() ({
        %run_scoped3A_214 = tpu.sem_alloc : memref<!tpu.dma_semaphore, #tpu.memory_space<semaphore_mem>>
        %dma_start3A_215 = arith.constant 0 : i32
        %dma_start3A_216 = arith.constant 0 : i32
        %dma_start3A_217 = tpu.memref_slice %arg8[%run_scoped3A_191, %dma_start3A_215, %dma_start3A_216] : memref<4x128x8xf32, #tpu.memory_space<vmem>> -> memref<1x128x8xf32, #tpu.memory_space<vmem>>
        %dma_start3A_218 = tpu.memref_squeeze %dma_start3A_217 : memref<1x128x8xf32, #tpu.memory_space<vmem>> -> memref<128x8xf32, #tpu.memory_space<vmem>>
        %dma_start3A_219 = arith.constant 0 : i32
        %dma_start3A_220 = tpu.memref_slice %arg5[%add3A_190, %dma_start3A_219] : memref<262144x8xf32, #tpu.memory_space<hbm>> -> memref<128x8xf32, #tpu.memory_space<hbm>>
        %dma_start3A_221 = arith.constant 0 : i32
        %dma_start3A_222 = tpu.memref_slice %arg5[%add3A_190, %dma_start3A_221] : memref<262144x8xf32, #tpu.memory_space<hbm>> -> memref<128x8xf32, #tpu.memory_space<hbm>>
        %dma_start3A_223 = arith.constant 0 : i32
        %dma_start3A_224 = arith.constant 0 : i32
        %dma_start3A_225 = tpu.memref_slice %arg8[%run_scoped3A_191, %dma_start3A_223, %dma_start3A_224] : memref<4x128x8xf32, #tpu.memory_space<vmem>> -> memref<1x128x8xf32, #tpu.memory_space<vmem>>
        %dma_start3A_226 = tpu.memref_squeeze %dma_start3A_225 : memref<1x128x8xf32, #tpu.memory_space<vmem>> -> memref<128x8xf32, #tpu.memory_space<vmem>>
        tpu.enqueue_dma source(%dma_start3A_226 : memref<128x8xf32, #tpu.memory_space<vmem>>) target(%dma_start3A_222 : memref<128x8xf32, #tpu.memory_space<hbm>>) target_semaphore(%run_scoped3A_214 : memref<!tpu.dma_semaphore, #tpu.memory_space<semaphore_mem>>)
        %dma_wait3A_227 = arith.constant 0 : i32
        %dma_wait3A_228 = arith.constant 0 : i32
        %dma_wait3A_229 = tpu.memref_slice %arg8[%run_scoped3A_191, %dma_wait3A_227, %dma_wait3A_228] : memref<4x128x8xf32, #tpu.memory_space<vmem>> -> memref<1x128x8xf32, #tpu.memory_space<vmem>>
        %dma_wait3A_230 = tpu.memref_squeeze %dma_wait3A_229 : memref<1x128x8xf32, #tpu.memory_space<vmem>> -> memref<128x8xf32, #tpu.memory_space<vmem>>
        %dma_wait3A_231 = arith.constant 0 : i32
        %dma_wait3A_232 = tpu.memref_slice %arg5[%add3A_190, %dma_wait3A_231] : memref<262144x8xf32, #tpu.memory_space<hbm>> -> memref<128x8xf32, #tpu.memory_space<hbm>>
        %dma_wait3A_233 = arith.constant 0 : i32
        %dma_wait3A_234 = tpu.memref_slice %arg5[%add3A_190, %dma_wait3A_233] : memref<262144x8xf32, #tpu.memory_space<hbm>> -> memref<128x8xf32, #tpu.memory_space<hbm>>
        %dma_wait3A_235 = arith.constant 0 : i32
        %dma_wait3A_236 = arith.constant 0 : i32
        %dma_wait3A_237 = tpu.memref_slice %arg8[%run_scoped3A_191, %dma_wait3A_235, %dma_wait3A_236] : memref<4x128x8xf32, #tpu.memory_space<vmem>> -> memref<1x128x8xf32, #tpu.memory_space<vmem>>
        %dma_wait3A_238 = tpu.memref_squeeze %dma_wait3A_237 : memref<1x128x8xf32, #tpu.memory_space<vmem>> -> memref<128x8xf32, #tpu.memory_space<vmem>>
        tpu.wait_dma2 semaphore(%run_scoped3A_214 : memref<!tpu.dma_semaphore, #tpu.memory_space<semaphore_mem>>) src(%dma_wait3A_238 : memref<128x8xf32, #tpu.memory_space<vmem>>) dst(%dma_wait3A_234 : memref<128x8xf32, #tpu.memory_space<hbm>>)
        tpu.yield
      }) : () -> ()
      %add3A_192 = arith.addi %mul3A_2, %mul3A_189 : i32
      %run_scoped3A_193 = arith.constant 1 : i32
      "tpu.region"() ({
        %run_scoped3A_214 = tpu.sem_alloc : memref<!tpu.dma_semaphore, #tpu.memory_space<semaphore_mem>>
        %dma_start3A_215 = arith.constant 0 : i32
        %dma_start3A_216 = arith.constant 0 : i32
        %dma_start3A_217 = tpu.memref_slice %arg9[%run_scoped3A_193, %dma_start3A_215, %dma_start3A_216] : memref<4x128x16xf32, #tpu.memory_space<vmem>> -> memref<1x128x16xf32, #tpu.memory_space<vmem>>
        %dma_start3A_218 = tpu.memref_squeeze %dma_start3A_217 : memref<1x128x16xf32, #tpu.memory_space<vmem>> -> memref<128x16xf32, #tpu.memory_space<vmem>>
        %dma_start3A_219 = arith.constant 0 : i32
        %dma_start3A_220 = tpu.memref_slice %arg6[%add3A_192, %dma_start3A_219] : memref<262144x16xf32, #tpu.memory_space<hbm>> -> memref<128x16xf32, #tpu.memory_space<hbm>>
        %dma_start3A_221 = arith.constant 0 : i32
        %dma_start3A_222 = tpu.memref_slice %arg6[%add3A_192, %dma_start3A_221] : memref<262144x16xf32, #tpu.memory_space<hbm>> -> memref<128x16xf32, #tpu.memory_space<hbm>>
        %dma_start3A_223 = arith.constant 0 : i32
        %dma_start3A_224 = arith.constant 0 : i32
        %dma_start3A_225 = tpu.memref_slice %arg9[%run_scoped3A_193, %dma_start3A_223, %dma_start3A_224] : memref<4x128x16xf32, #tpu.memory_space<vmem>> -> memref<1x128x16xf32, #tpu.memory_space<vmem>>
        %dma_start3A_226 = tpu.memref_squeeze %dma_start3A_225 : memref<1x128x16xf32, #tpu.memory_space<vmem>> -> memref<128x16xf32, #tpu.memory_space<vmem>>
        tpu.enqueue_dma source(%dma_start3A_226 : memref<128x16xf32, #tpu.memory_space<vmem>>) target(%dma_start3A_222 : memref<128x16xf32, #tpu.memory_space<hbm>>) target_semaphore(%run_scoped3A_214 : memref<!tpu.dma_semaphore, #tpu.memory_space<semaphore_mem>>)
        %dma_wait3A_227 = arith.constant 0 : i32
        %dma_wait3A_228 = arith.constant 0 : i32
        %dma_wait3A_229 = tpu.memref_slice %arg9[%run_scoped3A_193, %dma_wait3A_227, %dma_wait3A_228] : memref<4x128x16xf32, #tpu.memory_space<vmem>> -> memref<1x128x16xf32, #tpu.memory_space<vmem>>
        %dma_wait3A_230 = tpu.memref_squeeze %dma_wait3A_229 : memref<1x128x16xf32, #tpu.memory_space<vmem>> -> memref<128x16xf32, #tpu.memory_space<vmem>>
        %dma_wait3A_231 = arith.constant 0 : i32
        %dma_wait3A_232 = tpu.memref_slice %arg6[%add3A_192, %dma_wait3A_231] : memref<262144x16xf32, #tpu.memory_space<hbm>> -> memref<128x16xf32, #tpu.memory_space<hbm>>
        %dma_wait3A_233 = arith.constant 0 : i32
        %dma_wait3A_234 = tpu.memref_slice %arg6[%add3A_192, %dma_wait3A_233] : memref<262144x16xf32, #tpu.memory_space<hbm>> -> memref<128x16xf32, #tpu.memory_space<hbm>>
        %dma_wait3A_235 = arith.constant 0 : i32
        %dma_wait3A_236 = arith.constant 0 : i32
        %dma_wait3A_237 = tpu.memref_slice %arg9[%run_scoped3A_193, %dma_wait3A_235, %dma_wait3A_236] : memref<4x128x16xf32, #tpu.memory_space<vmem>> -> memref<1x128x16xf32, #tpu.memory_space<vmem>>
        %dma_wait3A_238 = tpu.memref_squeeze %dma_wait3A_237 : memref<1x128x16xf32, #tpu.memory_space<vmem>> -> memref<128x16xf32, #tpu.memory_space<vmem>>
        tpu.wait_dma2 semaphore(%run_scoped3A_214 : memref<!tpu.dma_semaphore, #tpu.memory_space<semaphore_mem>>) src(%dma_wait3A_238 : memref<128x16xf32, #tpu.memory_space<vmem>>) dst(%dma_wait3A_234 : memref<128x16xf32, #tpu.memory_space<hbm>>)
        tpu.yield
      }) : () -> ()
      %mul3A_194 = arith.constant 4 : i32
      %mul3A_195 = arith.muli %scan3A_8, %mul3A_194 : i32
      %add3A_196 = arith.constant 2 : i32
      %add3A_197 = arith.addi %mul3A_195, %add3A_196 : i32
      %mul3A_198 = arith.constant 128 : i32
      %mul3A_199 = arith.muli %add3A_197, %mul3A_198 : i32
      %add3A_200 = arith.addi %mul3A_2, %mul3A_199 : i32
      %run_scoped3A_201 = arith.constant 2 : i32
      "tpu.region"() ({
        %run_scoped3A_214 = tpu.sem_alloc : memref<!tpu.dma_semaphore, #tpu.memory_space<semaphore_mem>>
        %dma_start3A_215 = arith.constant 0 : i32
        %dma_start3A_216 = arith.constant 0 : i32
        %dma_start3A_217 = tpu.memref_slice %arg8[%run_scoped3A_201, %dma_start3A_215, %dma_start3A_216] : memref<4x128x8xf32, #tpu.memory_space<vmem>> -> memref<1x128x8xf32, #tpu.memory_space<vmem>>
        %dma_start3A_218 = tpu.memref_squeeze %dma_start3A_217 : memref<1x128x8xf32, #tpu.memory_space<vmem>> -> memref<128x8xf32, #tpu.memory_space<vmem>>
        %dma_start3A_219 = arith.constant 0 : i32
        %dma_start3A_220 = tpu.memref_slice %arg5[%add3A_200, %dma_start3A_219] : memref<262144x8xf32, #tpu.memory_space<hbm>> -> memref<128x8xf32, #tpu.memory_space<hbm>>
        %dma_start3A_221 = arith.constant 0 : i32
        %dma_start3A_222 = tpu.memref_slice %arg5[%add3A_200, %dma_start3A_221] : memref<262144x8xf32, #tpu.memory_space<hbm>> -> memref<128x8xf32, #tpu.memory_space<hbm>>
        %dma_start3A_223 = arith.constant 0 : i32
        %dma_start3A_224 = arith.constant 0 : i32
        %dma_start3A_225 = tpu.memref_slice %arg8[%run_scoped3A_201, %dma_start3A_223, %dma_start3A_224] : memref<4x128x8xf32, #tpu.memory_space<vmem>> -> memref<1x128x8xf32, #tpu.memory_space<vmem>>
        %dma_start3A_226 = tpu.memref_squeeze %dma_start3A_225 : memref<1x128x8xf32, #tpu.memory_space<vmem>> -> memref<128x8xf32, #tpu.memory_space<vmem>>
        tpu.enqueue_dma source(%dma_start3A_226 : memref<128x8xf32, #tpu.memory_space<vmem>>) target(%dma_start3A_222 : memref<128x8xf32, #tpu.memory_space<hbm>>) target_semaphore(%run_scoped3A_214 : memref<!tpu.dma_semaphore, #tpu.memory_space<semaphore_mem>>)
        %dma_wait3A_227 = arith.constant 0 : i32
        %dma_wait3A_228 = arith.constant 0 : i32
        %dma_wait3A_229 = tpu.memref_slice %arg8[%run_scoped3A_201, %dma_wait3A_227, %dma_wait3A_228] : memref<4x128x8xf32, #tpu.memory_space<vmem>> -> memref<1x128x8xf32, #tpu.memory_space<vmem>>
        %dma_wait3A_230 = tpu.memref_squeeze %dma_wait3A_229 : memref<1x128x8xf32, #tpu.memory_space<vmem>> -> memref<128x8xf32, #tpu.memory_space<vmem>>
        %dma_wait3A_231 = arith.constant 0 : i32
        %dma_wait3A_232 = tpu.memref_slice %arg5[%add3A_200, %dma_wait3A_231] : memref<262144x8xf32, #tpu.memory_space<hbm>> -> memref<128x8xf32, #tpu.memory_space<hbm>>
        %dma_wait3A_233 = arith.constant 0 : i32
        %dma_wait3A_234 = tpu.memref_slice %arg5[%add3A_200, %dma_wait3A_233] : memref<262144x8xf32, #tpu.memory_space<hbm>> -> memref<128x8xf32, #tpu.memory_space<hbm>>
        %dma_wait3A_235 = arith.constant 0 : i32
        %dma_wait3A_236 = arith.constant 0 : i32
        %dma_wait3A_237 = tpu.memref_slice %arg8[%run_scoped3A_201, %dma_wait3A_235, %dma_wait3A_236] : memref<4x128x8xf32, #tpu.memory_space<vmem>> -> memref<1x128x8xf32, #tpu.memory_space<vmem>>
        %dma_wait3A_238 = tpu.memref_squeeze %dma_wait3A_237 : memref<1x128x8xf32, #tpu.memory_space<vmem>> -> memref<128x8xf32, #tpu.memory_space<vmem>>
        tpu.wait_dma2 semaphore(%run_scoped3A_214 : memref<!tpu.dma_semaphore, #tpu.memory_space<semaphore_mem>>) src(%dma_wait3A_238 : memref<128x8xf32, #tpu.memory_space<vmem>>) dst(%dma_wait3A_234 : memref<128x8xf32, #tpu.memory_space<hbm>>)
        tpu.yield
      }) : () -> ()
      %add3A_202 = arith.addi %mul3A_2, %mul3A_199 : i32
      %run_scoped3A_203 = arith.constant 2 : i32
      "tpu.region"() ({
        %run_scoped3A_214 = tpu.sem_alloc : memref<!tpu.dma_semaphore, #tpu.memory_space<semaphore_mem>>
        %dma_start3A_215 = arith.constant 0 : i32
        %dma_start3A_216 = arith.constant 0 : i32
        %dma_start3A_217 = tpu.memref_slice %arg9[%run_scoped3A_203, %dma_start3A_215, %dma_start3A_216] : memref<4x128x16xf32, #tpu.memory_space<vmem>> -> memref<1x128x16xf32, #tpu.memory_space<vmem>>
        %dma_start3A_218 = tpu.memref_squeeze %dma_start3A_217 : memref<1x128x16xf32, #tpu.memory_space<vmem>> -> memref<128x16xf32, #tpu.memory_space<vmem>>
        %dma_start3A_219 = arith.constant 0 : i32
        %dma_start3A_220 = tpu.memref_slice %arg6[%add3A_202, %dma_start3A_219] : memref<262144x16xf32, #tpu.memory_space<hbm>> -> memref<128x16xf32, #tpu.memory_space<hbm>>
        %dma_start3A_221 = arith.constant 0 : i32
        %dma_start3A_222 = tpu.memref_slice %arg6[%add3A_202, %dma_start3A_221] : memref<262144x16xf32, #tpu.memory_space<hbm>> -> memref<128x16xf32, #tpu.memory_space<hbm>>
        %dma_start3A_223 = arith.constant 0 : i32
        %dma_start3A_224 = arith.constant 0 : i32
        %dma_start3A_225 = tpu.memref_slice %arg9[%run_scoped3A_203, %dma_start3A_223, %dma_start3A_224] : memref<4x128x16xf32, #tpu.memory_space<vmem>> -> memref<1x128x16xf32, #tpu.memory_space<vmem>>
        %dma_start3A_226 = tpu.memref_squeeze %dma_start3A_225 : memref<1x128x16xf32, #tpu.memory_space<vmem>> -> memref<128x16xf32, #tpu.memory_space<vmem>>
        tpu.enqueue_dma source(%dma_start3A_226 : memref<128x16xf32, #tpu.memory_space<vmem>>) target(%dma_start3A_222 : memref<128x16xf32, #tpu.memory_space<hbm>>) target_semaphore(%run_scoped3A_214 : memref<!tpu.dma_semaphore, #tpu.memory_space<semaphore_mem>>)
        %dma_wait3A_227 = arith.constant 0 : i32
        %dma_wait3A_228 = arith.constant 0 : i32
        %dma_wait3A_229 = tpu.memref_slice %arg9[%run_scoped3A_203, %dma_wait3A_227, %dma_wait3A_228] : memref<4x128x16xf32, #tpu.memory_space<vmem>> -> memref<1x128x16xf32, #tpu.memory_space<vmem>>
        %dma_wait3A_230 = tpu.memref_squeeze %dma_wait3A_229 : memref<1x128x16xf32, #tpu.memory_space<vmem>> -> memref<128x16xf32, #tpu.memory_space<vmem>>
        %dma_wait3A_231 = arith.constant 0 : i32
        %dma_wait3A_232 = tpu.memref_slice %arg6[%add3A_202, %dma_wait3A_231] : memref<262144x16xf32, #tpu.memory_space<hbm>> -> memref<128x16xf32, #tpu.memory_space<hbm>>
        %dma_wait3A_233 = arith.constant 0 : i32
        %dma_wait3A_234 = tpu.memref_slice %arg6[%add3A_202, %dma_wait3A_233] : memref<262144x16xf32, #tpu.memory_space<hbm>> -> memref<128x16xf32, #tpu.memory_space<hbm>>
        %dma_wait3A_235 = arith.constant 0 : i32
        %dma_wait3A_236 = arith.constant 0 : i32
        %dma_wait3A_237 = tpu.memref_slice %arg9[%run_scoped3A_203, %dma_wait3A_235, %dma_wait3A_236] : memref<4x128x16xf32, #tpu.memory_space<vmem>> -> memref<1x128x16xf32, #tpu.memory_space<vmem>>
        %dma_wait3A_238 = tpu.memref_squeeze %dma_wait3A_237 : memref<1x128x16xf32, #tpu.memory_space<vmem>> -> memref<128x16xf32, #tpu.memory_space<vmem>>
        tpu.wait_dma2 semaphore(%run_scoped3A_214 : memref<!tpu.dma_semaphore, #tpu.memory_space<semaphore_mem>>) src(%dma_wait3A_238 : memref<128x16xf32, #tpu.memory_space<vmem>>) dst(%dma_wait3A_234 : memref<128x16xf32, #tpu.memory_space<hbm>>)
        tpu.yield
      }) : () -> ()
      %mul3A_204 = arith.constant 4 : i32
      %mul3A_205 = arith.muli %scan3A_8, %mul3A_204 : i32
      %add3A_206 = arith.constant 3 : i32
      %add3A_207 = arith.addi %mul3A_205, %add3A_206 : i32
      %mul3A_208 = arith.constant 128 : i32
      %mul3A_209 = arith.muli %add3A_207, %mul3A_208 : i32
      %add3A_210 = arith.addi %mul3A_2, %mul3A_209 : i32
      %run_scoped3A_211 = arith.constant 3 : i32
      "tpu.region"() ({
        %run_scoped3A_214 = tpu.sem_alloc : memref<!tpu.dma_semaphore, #tpu.memory_space<semaphore_mem>>
        %dma_start3A_215 = arith.constant 0 : i32
        %dma_start3A_216 = arith.constant 0 : i32
        %dma_start3A_217 = tpu.memref_slice %arg8[%run_scoped3A_211, %dma_start3A_215, %dma_start3A_216] : memref<4x128x8xf32, #tpu.memory_space<vmem>> -> memref<1x128x8xf32, #tpu.memory_space<vmem>>
        %dma_start3A_218 = tpu.memref_squeeze %dma_start3A_217 : memref<1x128x8xf32, #tpu.memory_space<vmem>> -> memref<128x8xf32, #tpu.memory_space<vmem>>
        %dma_start3A_219 = arith.constant 0 : i32
        %dma_start3A_220 = tpu.memref_slice %arg5[%add3A_210, %dma_start3A_219] : memref<262144x8xf32, #tpu.memory_space<hbm>> -> memref<128x8xf32, #tpu.memory_space<hbm>>
        %dma_start3A_221 = arith.constant 0 : i32
        %dma_start3A_222 = tpu.memref_slice %arg5[%add3A_210, %dma_start3A_221] : memref<262144x8xf32, #tpu.memory_space<hbm>> -> memref<128x8xf32, #tpu.memory_space<hbm>>
        %dma_start3A_223 = arith.constant 0 : i32
        %dma_start3A_224 = arith.constant 0 : i32
        %dma_start3A_225 = tpu.memref_slice %arg8[%run_scoped3A_211, %dma_start3A_223, %dma_start3A_224] : memref<4x128x8xf32, #tpu.memory_space<vmem>> -> memref<1x128x8xf32, #tpu.memory_space<vmem>>
        %dma_start3A_226 = tpu.memref_squeeze %dma_start3A_225 : memref<1x128x8xf32, #tpu.memory_space<vmem>> -> memref<128x8xf32, #tpu.memory_space<vmem>>
        tpu.enqueue_dma source(%dma_start3A_226 : memref<128x8xf32, #tpu.memory_space<vmem>>) target(%dma_start3A_222 : memref<128x8xf32, #tpu.memory_space<hbm>>) target_semaphore(%run_scoped3A_214 : memref<!tpu.dma_semaphore, #tpu.memory_space<semaphore_mem>>)
        %dma_wait3A_227 = arith.constant 0 : i32
        %dma_wait3A_228 = arith.constant 0 : i32
        %dma_wait3A_229 = tpu.memref_slice %arg8[%run_scoped3A_211, %dma_wait3A_227, %dma_wait3A_228] : memref<4x128x8xf32, #tpu.memory_space<vmem>> -> memref<1x128x8xf32, #tpu.memory_space<vmem>>
        %dma_wait3A_230 = tpu.memref_squeeze %dma_wait3A_229 : memref<1x128x8xf32, #tpu.memory_space<vmem>> -> memref<128x8xf32, #tpu.memory_space<vmem>>
        %dma_wait3A_231 = arith.constant 0 : i32
        %dma_wait3A_232 = tpu.memref_slice %arg5[%add3A_210, %dma_wait3A_231] : memref<262144x8xf32, #tpu.memory_space<hbm>> -> memref<128x8xf32, #tpu.memory_space<hbm>>
        %dma_wait3A_233 = arith.constant 0 : i32
        %dma_wait3A_234 = tpu.memref_slice %arg5[%add3A_210, %dma_wait3A_233] : memref<262144x8xf32, #tpu.memory_space<hbm>> -> memref<128x8xf32, #tpu.memory_space<hbm>>
        %dma_wait3A_235 = arith.constant 0 : i32
        %dma_wait3A_236 = arith.constant 0 : i32
        %dma_wait3A_237 = tpu.memref_slice %arg8[%run_scoped3A_211, %dma_wait3A_235, %dma_wait3A_236] : memref<4x128x8xf32, #tpu.memory_space<vmem>> -> memref<1x128x8xf32, #tpu.memory_space<vmem>>
        %dma_wait3A_238 = tpu.memref_squeeze %dma_wait3A_237 : memref<1x128x8xf32, #tpu.memory_space<vmem>> -> memref<128x8xf32, #tpu.memory_space<vmem>>
        tpu.wait_dma2 semaphore(%run_scoped3A_214 : memref<!tpu.dma_semaphore, #tpu.memory_space<semaphore_mem>>) src(%dma_wait3A_238 : memref<128x8xf32, #tpu.memory_space<vmem>>) dst(%dma_wait3A_234 : memref<128x8xf32, #tpu.memory_space<hbm>>)
        tpu.yield
      }) : () -> ()
      %add3A_212 = arith.addi %mul3A_2, %mul3A_209 : i32
      %run_scoped3A_213 = arith.constant 3 : i32
      "tpu.region"() ({
        %run_scoped3A_214 = tpu.sem_alloc : memref<!tpu.dma_semaphore, #tpu.memory_space<semaphore_mem>>
        %dma_start3A_215 = arith.constant 0 : i32
        %dma_start3A_216 = arith.constant 0 : i32
        %dma_start3A_217 = tpu.memref_slice %arg9[%run_scoped3A_213, %dma_start3A_215, %dma_start3A_216] : memref<4x128x16xf32, #tpu.memory_space<vmem>> -> memref<1x128x16xf32, #tpu.memory_space<vmem>>
        %dma_start3A_218 = tpu.memref_squeeze %dma_start3A_217 : memref<1x128x16xf32, #tpu.memory_space<vmem>> -> memref<128x16xf32, #tpu.memory_space<vmem>>
        %dma_start3A_219 = arith.constant 0 : i32
        %dma_start3A_220 = tpu.memref_slice %arg6[%add3A_212, %dma_start3A_219] : memref<262144x16xf32, #tpu.memory_space<hbm>> -> memref<128x16xf32, #tpu.memory_space<hbm>>
        %dma_start3A_221 = arith.constant 0 : i32
        %dma_start3A_222 = tpu.memref_slice %arg6[%add3A_212, %dma_start3A_221] : memref<262144x16xf32, #tpu.memory_space<hbm>> -> memref<128x16xf32, #tpu.memory_space<hbm>>
        %dma_start3A_223 = arith.constant 0 : i32
        %dma_start3A_224 = arith.constant 0 : i32
        %dma_start3A_225 = tpu.memref_slice %arg9[%run_scoped3A_213, %dma_start3A_223, %dma_start3A_224] : memref<4x128x16xf32, #tpu.memory_space<vmem>> -> memref<1x128x16xf32, #tpu.memory_space<vmem>>
        %dma_start3A_226 = tpu.memref_squeeze %dma_start3A_225 : memref<1x128x16xf32, #tpu.memory_space<vmem>> -> memref<128x16xf32, #tpu.memory_space<vmem>>
        tpu.enqueue_dma source(%dma_start3A_226 : memref<128x16xf32, #tpu.memory_space<vmem>>) target(%dma_start3A_222 : memref<128x16xf32, #tpu.memory_space<hbm>>) target_semaphore(%run_scoped3A_214 : memref<!tpu.dma_semaphore, #tpu.memory_space<semaphore_mem>>)
        %dma_wait3A_227 = arith.constant 0 : i32
        %dma_wait3A_228 = arith.constant 0 : i32
        %dma_wait3A_229 = tpu.memref_slice %arg9[%run_scoped3A_213, %dma_wait3A_227, %dma_wait3A_228] : memref<4x128x16xf32, #tpu.memory_space<vmem>> -> memref<1x128x16xf32, #tpu.memory_space<vmem>>
        %dma_wait3A_230 = tpu.memref_squeeze %dma_wait3A_229 : memref<1x128x16xf32, #tpu.memory_space<vmem>> -> memref<128x16xf32, #tpu.memory_space<vmem>>
        %dma_wait3A_231 = arith.constant 0 : i32
        %dma_wait3A_232 = tpu.memref_slice %arg6[%add3A_212, %dma_wait3A_231] : memref<262144x16xf32, #tpu.memory_space<hbm>> -> memref<128x16xf32, #tpu.memory_space<hbm>>
        %dma_wait3A_233 = arith.constant 0 : i32
        %dma_wait3A_234 = tpu.memref_slice %arg6[%add3A_212, %dma_wait3A_233] : memref<262144x16xf32, #tpu.memory_space<hbm>> -> memref<128x16xf32, #tpu.memory_space<hbm>>
        %dma_wait3A_235 = arith.constant 0 : i32
        %dma_wait3A_236 = arith.constant 0 : i32
        %dma_wait3A_237 = tpu.memref_slice %arg9[%run_scoped3A_213, %dma_wait3A_235, %dma_wait3A_236] : memref<4x128x16xf32, #tpu.memory_space<vmem>> -> memref<1x128x16xf32, #tpu.memory_space<vmem>>
        %dma_wait3A_238 = tpu.memref_squeeze %dma_wait3A_237 : memref<1x128x16xf32, #tpu.memory_space<vmem>> -> memref<128x16xf32, #tpu.memory_space<vmem>>
        tpu.wait_dma2 semaphore(%run_scoped3A_214 : memref<!tpu.dma_semaphore, #tpu.memory_space<semaphore_mem>>) src(%dma_wait3A_238 : memref<128x16xf32, #tpu.memory_space<vmem>>) dst(%dma_wait3A_234 : memref<128x16xf32, #tpu.memory_space<hbm>>)
        tpu.yield
      }) : () -> ()
    }
    %scan3A_7 = arith.constant 16 : i32
    return
  }
}

module attributes {stable_mosaic.version = 14 : i64} {
  func.func @_tc_body(%arg0: i32, %arg1: memref<1024x128xf32, #tpu.memory_space<vmem>>, %arg2: memref<1024x256xf32, #tpu.memory_space<vmem>>, %arg3: memref<1024x16xf32, #tpu.memory_space<vmem>>, %arg4: memref<1024x3xf32, #tpu.memory_space<vmem>>, %arg5: memref<256x256xf32, #tpu.memory_space<vmem>>, %arg6: memref<1024x16xf32, #tpu.memory_space<vmem>>) attributes {dimension_semantics = [#tpu.dimension_semantics<arbitrary>], iteration_bounds = array<i64: 16>, scalar_prefetch = 0 : i64, scratch_operands = 0 : i64, tpu.core_type = #tpu.core_type<tc>, window_params = [{transform_indices = @transform_0, window_bounds = array<i64: 1024, 128>}, {transform_indices = @transform_1, window_bounds = array<i64: 1024, 256>}, {transform_indices = @transform_2, window_bounds = array<i64: 1024, 16>}, {transform_indices = @transform_3, window_bounds = array<i64: 1024, 3>}, {pipeline_mode = #tpu.pipeline_mode<synchronous>, transform_indices = @transform_4, window_bounds = array<i64: 256, 256>}, {transform_indices = @transform_5, window_bounds = array<i64: 1024, 16>}]} {
    %get3A = arith.constant 0 : index
    %get3A_0 = arith.constant 0 : index
    %get3A_1 = vector.load %arg1[%get3A, %get3A_0] : memref<1024x128xf32, #tpu.memory_space<vmem>>, vector<1024x128xf32>
    %iota3A = tpu.iota {dimensions = array<i32: 0>} : vector<128x16xi32>
    %iota3A_2 = tpu.iota {dimensions = array<i32: 1>} : vector<128x16xi32>
    %mul3A = arith.constant 8 : i32
    %mul3A_3 = vector.broadcast %mul3A : i32 to vector<128x16xi32>
    %mul3A_4 = arith.muli %iota3A_2, %mul3A_3 : vector<128x16xi32>
    %eq3A = arith.cmpi eq, %iota3A, %mul3A_4 : vector<128x16xi32>
    %convert_element_type3A = arith.extui %eq3A : vector<128x16xi1> to vector<128x16xi32>
    %convert_element_type3A_5 = arith.sitofp %convert_element_type3A : vector<128x16xi32> to vector<128x16xf32>
    %mul3A_6 = arith.constant 8 : i32
    %mul3A_7 = vector.broadcast %mul3A_6 : i32 to vector<128x16xi32>
    %mul3A_8 = arith.muli %iota3A_2, %mul3A_7 : vector<128x16xi32>
    %add3A = arith.constant 1 : i32
    %add3A_9 = vector.broadcast %add3A : i32 to vector<128x16xi32>
    %add3A_10 = arith.addi %mul3A_8, %add3A_9 : vector<128x16xi32>
    %eq3A_11 = arith.cmpi eq, %iota3A, %add3A_10 : vector<128x16xi32>
    %convert_element_type3A_12 = arith.extui %eq3A_11 : vector<128x16xi1> to vector<128x16xi32>
    %convert_element_type3A_13 = arith.sitofp %convert_element_type3A_12 : vector<128x16xi32> to vector<128x16xf32>
    %mul3A_14 = arith.constant 8 : i32
    %mul3A_15 = vector.broadcast %mul3A_14 : i32 to vector<128x16xi32>
    %mul3A_16 = arith.muli %iota3A_2, %mul3A_15 : vector<128x16xi32>
    %add3A_17 = arith.constant 2 : i32
    %add3A_18 = vector.broadcast %add3A_17 : i32 to vector<128x16xi32>
    %add3A_19 = arith.addi %mul3A_16, %add3A_18 : vector<128x16xi32>
    %eq3A_20 = arith.cmpi eq, %iota3A, %add3A_19 : vector<128x16xi32>
    %convert_element_type3A_21 = arith.extui %eq3A_20 : vector<128x16xi1> to vector<128x16xi32>
    %convert_element_type3A_22 = arith.sitofp %convert_element_type3A_21 : vector<128x16xi32> to vector<128x16xf32>
    %dot_general3A = arith.constant dense<0.000000e+00> : vector<1024x16xf32>
    %dot_general3A_23 = tpu.matmul %get3A_1, %convert_element_type3A_5, %dot_general3A {dimension_numbers = #tpu.dot_dimension_numbers<[1], [0], [0], [1], [0, 0, 1, 1], [], []>, precision = #tpu.contract_precision<fp32>, transpose_lhs_hint = false} : vector<1024x128xf32>, vector<128x16xf32>, vector<1024x16xf32> -> vector<1024x16xf32>
    %dot_general3A_24 = arith.constant dense<0.000000e+00> : vector<1024x16xf32>
    %dot_general3A_25 = tpu.matmul %get3A_1, %convert_element_type3A_13, %dot_general3A_24 {dimension_numbers = #tpu.dot_dimension_numbers<[1], [0], [0], [1], [0, 0, 1, 1], [], []>, precision = #tpu.contract_precision<fp32>, transpose_lhs_hint = false} : vector<1024x128xf32>, vector<128x16xf32>, vector<1024x16xf32> -> vector<1024x16xf32>
    %dot_general3A_26 = arith.constant dense<0.000000e+00> : vector<1024x16xf32>
    %dot_general3A_27 = tpu.matmul %get3A_1, %convert_element_type3A_22, %dot_general3A_26 {dimension_numbers = #tpu.dot_dimension_numbers<[1], [0], [0], [1], [0, 0, 1, 1], [], []>, precision = #tpu.contract_precision<fp32>, transpose_lhs_hint = false} : vector<1024x128xf32>, vector<128x16xf32>, vector<1024x16xf32> -> vector<1024x16xf32>
    %get3A_28 = arith.constant 0 : index
    %get3A_29 = arith.constant 0 : index
    %get3A_30 = vector.load %arg4[%get3A_28, %get3A_29] : memref<1024x3xf32, #tpu.memory_space<vmem>>, vector<1024x3xf32>
    %slice3A = vector.extract_strided_slice %get3A_30 {offsets = [0, 0], sizes = [1024, 1], strides = [1, 1]} : vector<1024x3xf32> to vector<1024x1xf32>
    %sub3A = vector.broadcast %slice3A : vector<1024x1xf32> to vector<1024x16xf32>
    %sub3A_31 = arith.subf %dot_general3A_23, %sub3A : vector<1024x16xf32>
    %slice3A_32 = vector.extract_strided_slice %get3A_30 {offsets = [0, 1], sizes = [1024, 1], strides = [1, 1]} : vector<1024x3xf32> to vector<1024x1xf32>
    %sub3A_33 = vector.broadcast %slice3A_32 : vector<1024x1xf32> to vector<1024x16xf32>
    %sub3A_34 = arith.subf %dot_general3A_25, %sub3A_33 : vector<1024x16xf32>
    %slice3A_35 = vector.extract_strided_slice %get3A_30 {offsets = [0, 2], sizes = [1024, 1], strides = [1, 1]} : vector<1024x3xf32> to vector<1024x1xf32>
    %sub3A_36 = vector.broadcast %slice3A_35 : vector<1024x1xf32> to vector<1024x16xf32>
    %sub3A_37 = arith.subf %dot_general3A_27, %sub3A_36 : vector<1024x16xf32>
    %get3A_38 = arith.constant 0 : index
    %get3A_39 = arith.constant 0 : index
    %get3A_40 = vector.load %arg3[%get3A_38, %get3A_39] : memref<1024x16xf32, #tpu.memory_space<vmem>>, vector<1024x16xf32>
    %atan23A = math.atan2 %sub3A_34, %sub3A_31 : vector<1024x16xf32>
    %add3A_41 = arith.constant 3.14159274 : f32
    %add3A_42 = vector.broadcast %add3A_41 : f32 to vector<1024x16xf32>
    %add3A_43 = arith.addf %atan23A, %add3A_42 : vector<1024x16xf32>
    %add3A_44 = arith.constant 9.99999993E-9 : f32
    %add3A_45 = vector.broadcast %add3A_44 : f32 to vector<1024x16xf32>
    %add3A_46 = arith.addf %get3A_40, %add3A_45 : vector<1024x16xf32>
    %div3A = arith.divf %sub3A_37, %add3A_46 : vector<1024x16xf32>
    %jit3A = arith.constant -1.000000e+00 : f32
    %jit3A_47 = arith.constant 1.000000e+00 : f32
    %max3A = vector.broadcast %jit3A : f32 to vector<1024x16xf32>
    %max3A_48 = arith.maximumf %max3A, %div3A : vector<1024x16xf32>
    %min3A = vector.broadcast %jit3A_47 : f32 to vector<1024x16xf32>
    %min3A_49 = arith.minimumf %min3A, %max3A_48 : vector<1024x16xf32>
    %mul3A_50 = arith.mulf %min3A_49, %min3A_49 : vector<1024x16xf32>
    %sub3A_51 = arith.constant 1.000000e+00 : f32
    %sub3A_52 = vector.broadcast %sub3A_51 : f32 to vector<1024x16xf32>
    %sub3A_53 = arith.subf %sub3A_52, %mul3A_50 : vector<1024x16xf32>
    %max3A_54 = arith.constant 0.000000e+00 : f32
    %max3A_55 = vector.broadcast %max3A_54 : f32 to vector<1024x16xf32>
    %max3A_56 = arith.maximumf %sub3A_53, %max3A_55 : vector<1024x16xf32>
    %sqrt3A = math.sqrt %max3A_56 : vector<1024x16xf32>
    %atan23A_57 = math.atan2 %sqrt3A, %min3A_49 : vector<1024x16xf32>
    %mul3A_58 = arith.constant 0.636619746 : f32
    %mul3A_59 = vector.broadcast %mul3A_58 : f32 to vector<1024x16xf32>
    %mul3A_60 = arith.mulf %add3A_43, %mul3A_59 : vector<1024x16xf32>
    %mul3A_61 = arith.constant 0.636619746 : f32
    %mul3A_62 = vector.broadcast %mul3A_61 : f32 to vector<1024x16xf32>
    %mul3A_63 = arith.mulf %atan23A_57, %mul3A_62 : vector<1024x16xf32>
    %div3A_64 = arith.constant 5.000000e-02 : f32
    %div3A_65 = vector.broadcast %div3A_64 : f32 to vector<1024x16xf32>
    %div3A_66 = arith.divf %get3A_40, %div3A_65 : vector<1024x16xf32>
    %jit3A_67 = arith.constant 0.000000e+00 : f32
    %jit3A_68 = arith.constant 1.99999905 : f32
    %max3A_69 = vector.broadcast %jit3A_67 : f32 to vector<1024x16xf32>
    %max3A_70 = arith.maximumf %max3A_69, %div3A_66 : vector<1024x16xf32>
    %min3A_71 = vector.broadcast %jit3A_68 : f32 to vector<1024x16xf32>
    %min3A_72 = arith.minimumf %min3A_71, %max3A_70 : vector<1024x16xf32>
    %floor3A = math.floor %mul3A_60 : vector<1024x16xf32>
    %floor3A_73 = math.floor %mul3A_63 : vector<1024x16xf32>
    %floor3A_74 = math.floor %min3A_72 : vector<1024x16xf32>
    %sub3A_75 = arith.subf %mul3A_60, %floor3A : vector<1024x16xf32>
    %sub3A_76 = arith.subf %mul3A_63, %floor3A_73 : vector<1024x16xf32>
    %sub3A_77 = arith.subf %min3A_72, %floor3A_74 : vector<1024x16xf32>
    %sub3A_78 = arith.constant 1.000000e+00 : f32
    %sub3A_79 = vector.broadcast %sub3A_78 : f32 to vector<1024x16xf32>
    %sub3A_80 = arith.subf %sub3A_79, %sub3A_75 : vector<1024x16xf32>
    %sub3A_81 = arith.constant 1.000000e+00 : f32
    %sub3A_82 = vector.broadcast %sub3A_81 : f32 to vector<1024x16xf32>
    %sub3A_83 = arith.subf %sub3A_82, %sub3A_76 : vector<1024x16xf32>
    %sub3A_84 = arith.constant 1.000000e+00 : f32
    %sub3A_85 = vector.broadcast %sub3A_84 : f32 to vector<1024x16xf32>
    %sub3A_86 = arith.subf %sub3A_85, %sub3A_77 : vector<1024x16xf32>
    %convert_element_type3A_87 = arith.fptosi %floor3A : vector<1024x16xf32> to vector<1024x16xi32>
    %convert_element_type3A_88 = arith.fptosi %floor3A_73 : vector<1024x16xf32> to vector<1024x16xi32>
    %convert_element_type3A_89 = arith.fptosi %floor3A_74 : vector<1024x16xf32> to vector<1024x16xi32>
    %jit3A_90 = arith.constant 0 : i32
    %jit3A_91 = arith.constant 1 : i32
    %max3A_92 = vector.broadcast %jit3A_90 : i32 to vector<1024x16xi32>
    %max3A_93 = arith.maxsi %max3A_92, %convert_element_type3A_88 : vector<1024x16xi32>
    %min3A_94 = vector.broadcast %jit3A_91 : i32 to vector<1024x16xi32>
    %min3A_95 = arith.minsi %min3A_94, %max3A_93 : vector<1024x16xi32>
    %add3A_96 = arith.constant 1 : i32
    %add3A_97 = vector.broadcast %add3A_96 : i32 to vector<1024x16xi32>
    %add3A_98 = arith.addi %convert_element_type3A_88, %add3A_97 : vector<1024x16xi32>
    %jit3A_99 = arith.constant 0 : i32
    %jit3A_100 = arith.constant 1 : i32
    %max3A_101 = vector.broadcast %jit3A_99 : i32 to vector<1024x16xi32>
    %max3A_102 = arith.maxsi %max3A_101, %add3A_98 : vector<1024x16xi32>
    %min3A_103 = vector.broadcast %jit3A_100 : i32 to vector<1024x16xi32>
    %min3A_104 = arith.minsi %min3A_103, %max3A_102 : vector<1024x16xi32>
    %jit3A_105 = arith.constant 0 : i32
    %jit3A_106 = arith.constant 1 : i32
    %max3A_107 = vector.broadcast %jit3A_105 : i32 to vector<1024x16xi32>
    %max3A_108 = arith.maxsi %max3A_107, %convert_element_type3A_89 : vector<1024x16xi32>
    %min3A_109 = vector.broadcast %jit3A_106 : i32 to vector<1024x16xi32>
    %min3A_110 = arith.minsi %min3A_109, %max3A_108 : vector<1024x16xi32>
    %add3A_111 = arith.constant 1 : i32
    %add3A_112 = vector.broadcast %add3A_111 : i32 to vector<1024x16xi32>
    %add3A_113 = arith.addi %convert_element_type3A_89, %add3A_112 : vector<1024x16xi32>
    %jit3A_114 = arith.constant 0 : i32
    %jit3A_115 = arith.constant 1 : i32
    %max3A_116 = vector.broadcast %jit3A_114 : i32 to vector<1024x16xi32>
    %max3A_117 = arith.maxsi %max3A_116, %add3A_113 : vector<1024x16xi32>
    %min3A_118 = vector.broadcast %jit3A_115 : i32 to vector<1024x16xi32>
    %min3A_119 = arith.minsi %min3A_118, %max3A_117 : vector<1024x16xi32>
    %jit3A_120 = arith.constant 4 : i32
    %eq3A_121 = arith.constant 0 : i32
    %eq3A_122 = arith.cmpi eq, %jit3A_120, %eq3A_121 : i32
    %jit3A_123 = arith.constant 1 : i32
    %select_n3A = arith.select %eq3A_122, %jit3A_123, %jit3A_120 : i32
    %rem3A = vector.broadcast %select_n3A : i32 to vector<1024x16xi32>
    %rem3A_124 = arith.remsi %convert_element_type3A_87, %rem3A : vector<1024x16xi32>
    %ne3A = arith.constant 0 : i32
    %ne3A_125 = vector.broadcast %ne3A : i32 to vector<1024x16xi32>
    %ne3A_126 = arith.cmpi ne, %rem3A_124, %ne3A_125 : vector<1024x16xi32>
    %lt3A = arith.constant 0 : i32
    %lt3A_127 = vector.broadcast %lt3A : i32 to vector<1024x16xi32>
    %lt3A_128 = arith.cmpi slt, %rem3A_124, %lt3A_127 : vector<1024x16xi32>
    %lt3A_129 = arith.constant 0 : i32
    %lt3A_130 = arith.cmpi slt, %select_n3A, %lt3A_129 : i32
    %ne3A_131 = vector.broadcast %lt3A_130 : i1 to vector<1024x16xi1>
    %ne3A_132 = vector.broadcast %ne3A_131 : vector<1024x16xi1> to vector<1024x16xi1>
    %ne3A_133 = arith.xori %lt3A_128, %ne3A_132 : vector<1024x16xi1>
    %and3A = arith.andi %ne3A_133, %ne3A_126 : vector<1024x16xi1>
    %add3A_134 = vector.broadcast %select_n3A : i32 to vector<1024x16xi32>
    %add3A_135 = arith.addi %rem3A_124, %add3A_134 : vector<1024x16xi32>
    %select_n3A_136 = arith.select %and3A, %add3A_135, %rem3A_124 : vector<1024x16xi1>, vector<1024x16xi32>
    %mul3A_137 = arith.constant 2 : i32
    %mul3A_138 = vector.broadcast %mul3A_137 : i32 to vector<1024x16xi32>
    %mul3A_139 = arith.muli %select_n3A_136, %mul3A_138 : vector<1024x16xi32>
    %add3A_140 = arith.constant 1 : i32
    %add3A_141 = vector.broadcast %add3A_140 : i32 to vector<1024x16xi32>
    %add3A_142 = arith.addi %convert_element_type3A_87, %add3A_141 : vector<1024x16xi32>
    %jit3A_143 = arith.constant 4 : i32
    %eq3A_144 = arith.constant 0 : i32
    %eq3A_145 = arith.cmpi eq, %jit3A_143, %eq3A_144 : i32
    %jit3A_146 = arith.constant 1 : i32
    %select_n3A_147 = arith.select %eq3A_145, %jit3A_146, %jit3A_143 : i32
    %rem3A_148 = vector.broadcast %select_n3A_147 : i32 to vector<1024x16xi32>
    %rem3A_149 = arith.remsi %add3A_142, %rem3A_148 : vector<1024x16xi32>
    %ne3A_150 = arith.constant 0 : i32
    %ne3A_151 = vector.broadcast %ne3A_150 : i32 to vector<1024x16xi32>
    %ne3A_152 = arith.cmpi ne, %rem3A_149, %ne3A_151 : vector<1024x16xi32>
    %lt3A_153 = arith.constant 0 : i32
    %lt3A_154 = vector.broadcast %lt3A_153 : i32 to vector<1024x16xi32>
    %lt3A_155 = arith.cmpi slt, %rem3A_149, %lt3A_154 : vector<1024x16xi32>
    %lt3A_156 = arith.constant 0 : i32
    %lt3A_157 = arith.cmpi slt, %select_n3A_147, %lt3A_156 : i32
    %ne3A_158 = vector.broadcast %lt3A_157 : i1 to vector<1024x16xi1>
    %ne3A_159 = vector.broadcast %ne3A_158 : vector<1024x16xi1> to vector<1024x16xi1>
    %ne3A_160 = arith.xori %lt3A_155, %ne3A_159 : vector<1024x16xi1>
    %and3A_161 = arith.andi %ne3A_160, %ne3A_152 : vector<1024x16xi1>
    %add3A_162 = vector.broadcast %select_n3A_147 : i32 to vector<1024x16xi32>
    %add3A_163 = arith.addi %rem3A_149, %add3A_162 : vector<1024x16xi32>
    %select_n3A_164 = arith.select %and3A_161, %add3A_163, %rem3A_149 : vector<1024x16xi1>, vector<1024x16xi32>
    %mul3A_165 = arith.constant 2 : i32
    %mul3A_166 = vector.broadcast %mul3A_165 : i32 to vector<1024x16xi32>
    %mul3A_167 = arith.muli %select_n3A_164, %mul3A_166 : vector<1024x16xi32>
    %mul3A_168 = arith.mulf %sub3A_80, %sub3A_83 : vector<1024x16xf32>
    %mul3A_169 = arith.mulf %mul3A_168, %sub3A_86 : vector<1024x16xf32>
    %mul3A_170 = arith.mulf %sub3A_75, %sub3A_83 : vector<1024x16xf32>
    %mul3A_171 = arith.mulf %mul3A_170, %sub3A_86 : vector<1024x16xf32>
    %mul3A_172 = arith.mulf %sub3A_80, %sub3A_76 : vector<1024x16xf32>
    %mul3A_173 = arith.mulf %mul3A_172, %sub3A_86 : vector<1024x16xf32>
    %mul3A_174 = arith.mulf %sub3A_75, %sub3A_76 : vector<1024x16xf32>
    %mul3A_175 = arith.mulf %mul3A_174, %sub3A_86 : vector<1024x16xf32>
    %mul3A_176 = arith.mulf %sub3A_80, %sub3A_83 : vector<1024x16xf32>
    %mul3A_177 = arith.mulf %mul3A_176, %sub3A_77 : vector<1024x16xf32>
    %mul3A_178 = arith.mulf %sub3A_75, %sub3A_83 : vector<1024x16xf32>
    %mul3A_179 = arith.mulf %mul3A_178, %sub3A_77 : vector<1024x16xf32>
    %mul3A_180 = arith.mulf %sub3A_80, %sub3A_76 : vector<1024x16xf32>
    %mul3A_181 = arith.mulf %mul3A_180, %sub3A_77 : vector<1024x16xf32>
    %mul3A_182 = arith.mulf %sub3A_75, %sub3A_76 : vector<1024x16xf32>
    %mul3A_183 = arith.mulf %mul3A_182, %sub3A_77 : vector<1024x16xf32>
    %add3A_184 = arith.addi %mul3A_139, %min3A_95 : vector<1024x16xi32>
    %mul3A_185 = arith.constant 2 : i32
    %mul3A_186 = vector.broadcast %mul3A_185 : i32 to vector<1024x16xi32>
    %mul3A_187 = arith.muli %add3A_184, %mul3A_186 : vector<1024x16xi32>
    %add3A_188 = arith.addi %mul3A_187, %min3A_110 : vector<1024x16xi32>
    %add3A_189 = arith.addi %mul3A_167, %min3A_95 : vector<1024x16xi32>
    %mul3A_190 = arith.constant 2 : i32
    %mul3A_191 = vector.broadcast %mul3A_190 : i32 to vector<1024x16xi32>
    %mul3A_192 = arith.muli %add3A_189, %mul3A_191 : vector<1024x16xi32>
    %add3A_193 = arith.addi %mul3A_192, %min3A_110 : vector<1024x16xi32>
    %add3A_194 = arith.addi %mul3A_139, %min3A_104 : vector<1024x16xi32>
    %mul3A_195 = arith.constant 2 : i32
    %mul3A_196 = vector.broadcast %mul3A_195 : i32 to vector<1024x16xi32>
    %mul3A_197 = arith.muli %add3A_194, %mul3A_196 : vector<1024x16xi32>
    %add3A_198 = arith.addi %mul3A_197, %min3A_110 : vector<1024x16xi32>
    %add3A_199 = arith.addi %mul3A_167, %min3A_104 : vector<1024x16xi32>
    %mul3A_200 = arith.constant 2 : i32
    %mul3A_201 = vector.broadcast %mul3A_200 : i32 to vector<1024x16xi32>
    %mul3A_202 = arith.muli %add3A_199, %mul3A_201 : vector<1024x16xi32>
    %add3A_203 = arith.addi %mul3A_202, %min3A_110 : vector<1024x16xi32>
    %add3A_204 = arith.addi %mul3A_139, %min3A_95 : vector<1024x16xi32>
    %mul3A_205 = arith.constant 2 : i32
    %mul3A_206 = vector.broadcast %mul3A_205 : i32 to vector<1024x16xi32>
    %mul3A_207 = arith.muli %add3A_204, %mul3A_206 : vector<1024x16xi32>
    %add3A_208 = arith.addi %mul3A_207, %min3A_119 : vector<1024x16xi32>
    %add3A_209 = arith.addi %mul3A_167, %min3A_95 : vector<1024x16xi32>
    %mul3A_210 = arith.constant 2 : i32
    %mul3A_211 = vector.broadcast %mul3A_210 : i32 to vector<1024x16xi32>
    %mul3A_212 = arith.muli %add3A_209, %mul3A_211 : vector<1024x16xi32>
    %add3A_213 = arith.addi %mul3A_212, %min3A_119 : vector<1024x16xi32>
    %add3A_214 = arith.addi %mul3A_139, %min3A_104 : vector<1024x16xi32>
    %mul3A_215 = arith.constant 2 : i32
    %mul3A_216 = vector.broadcast %mul3A_215 : i32 to vector<1024x16xi32>
    %mul3A_217 = arith.muli %add3A_214, %mul3A_216 : vector<1024x16xi32>
    %add3A_218 = arith.addi %mul3A_217, %min3A_119 : vector<1024x16xi32>
    %add3A_219 = arith.addi %mul3A_167, %min3A_104 : vector<1024x16xi32>
    %mul3A_220 = arith.constant 2 : i32
    %mul3A_221 = vector.broadcast %mul3A_220 : i32 to vector<1024x16xi32>
    %mul3A_222 = arith.muli %add3A_219, %mul3A_221 : vector<1024x16xi32>
    %add3A_223 = arith.addi %mul3A_222, %min3A_119 : vector<1024x16xi32>
    %iota3A_224 = tpu.iota {dimensions = array<i32: 0>} : vector<16x256xi32>
    %iota3A_225 = tpu.iota {dimensions = array<i32: 1>} : vector<16x256xi32>
    %jit3A_226 = arith.constant 16 : i32
    %div3A_227 = vector.broadcast %jit3A_226 : i32 to vector<16x256xi32>
    %div3A_228 = arith.divsi %iota3A_225, %div3A_227 : vector<16x256xi32>
    %sign3A = arith.constant 0 : i32
    %sign3A_229 = vector.broadcast %sign3A : i32 to vector<16x256xi32>
    %sign3A_230 = arith.cmpi sgt, %iota3A_225, %sign3A_229 : vector<16x256xi32>
    %sign3A_231 = arith.extui %sign3A_230 : vector<16x256xi1> to vector<16x256xi32>
    %sign3A_232 = arith.constant 0 : i32
    %sign3A_233 = vector.broadcast %sign3A_232 : i32 to vector<16x256xi32>
    %sign3A_234 = arith.cmpi slt, %iota3A_225, %sign3A_233 : vector<16x256xi32>
    %sign3A_235 = arith.extui %sign3A_234 : vector<16x256xi1> to vector<16x256xi32>
    %sign3A_236 = arith.subi %sign3A_231, %sign3A_235 : vector<16x256xi32>
    %sign3A_237 = arith.constant 0 : i32
    %sign3A_238 = arith.cmpi sgt, %jit3A_226, %sign3A_237 : i32
    %sign3A_239 = arith.extui %sign3A_238 : i1 to i32
    %sign3A_240 = arith.constant 0 : i32
    %sign3A_241 = arith.cmpi slt, %jit3A_226, %sign3A_240 : i32
    %sign3A_242 = arith.extui %sign3A_241 : i1 to i32
    %sign3A_243 = arith.subi %sign3A_239, %sign3A_242 : i32
    %ne3A_244 = vector.broadcast %sign3A_243 : i32 to vector<16x256xi32>
    %ne3A_245 = arith.cmpi ne, %sign3A_236, %ne3A_244 : vector<16x256xi32>
    %rem3A_246 = vector.broadcast %jit3A_226 : i32 to vector<16x256xi32>
    %rem3A_247 = arith.remsi %iota3A_225, %rem3A_246 : vector<16x256xi32>
    %ne3A_248 = arith.constant 0 : i32
    %ne3A_249 = vector.broadcast %ne3A_248 : i32 to vector<16x256xi32>
    %ne3A_250 = arith.cmpi ne, %rem3A_247, %ne3A_249 : vector<16x256xi32>
    %and3A_251 = arith.andi %ne3A_245, %ne3A_250 : vector<16x256xi1>
    %sub3A_252 = arith.constant 1 : i32
    %sub3A_253 = vector.broadcast %sub3A_252 : i32 to vector<16x256xi32>
    %sub3A_254 = arith.subi %div3A_228, %sub3A_253 : vector<16x256xi32>
    %select_n3A_255 = arith.select %and3A_251, %sub3A_254, %div3A_228 : vector<16x256xi1>, vector<16x256xi32>
    %eq3A_256 = arith.cmpi eq, %select_n3A_255, %iota3A_224 : vector<16x256xi32>
    %convert_element_type3A_257 = arith.extui %eq3A_256 : vector<16x256xi1> to vector<16x256xi32>
    %convert_element_type3A_258 = arith.sitofp %convert_element_type3A_257 : vector<16x256xi32> to vector<16x256xf32>
    %iota3A_259 = tpu.iota {dimensions = array<i32: 1>} : vector<1024x256xi32>
    %jit3A_260 = arith.constant 16 : i32
    %eq3A_261 = arith.constant 0 : i32
    %eq3A_262 = arith.cmpi eq, %jit3A_260, %eq3A_261 : i32
    %jit3A_263 = arith.constant 1 : i32
    %select_n3A_264 = arith.select %eq3A_262, %jit3A_263, %jit3A_260 : i32
    %rem3A_265 = vector.broadcast %select_n3A_264 : i32 to vector<1024x256xi32>
    %rem3A_266 = arith.remsi %iota3A_259, %rem3A_265 : vector<1024x256xi32>
    %ne3A_267 = arith.constant 0 : i32
    %ne3A_268 = vector.broadcast %ne3A_267 : i32 to vector<1024x256xi32>
    %ne3A_269 = arith.cmpi ne, %rem3A_266, %ne3A_268 : vector<1024x256xi32>
    %lt3A_270 = arith.constant 0 : i32
    %lt3A_271 = vector.broadcast %lt3A_270 : i32 to vector<1024x256xi32>
    %lt3A_272 = arith.cmpi slt, %rem3A_266, %lt3A_271 : vector<1024x256xi32>
    %lt3A_273 = arith.constant 0 : i32
    %lt3A_274 = arith.cmpi slt, %select_n3A_264, %lt3A_273 : i32
    %ne3A_275 = vector.broadcast %lt3A_274 : i1 to vector<1024x256xi1>
    %ne3A_276 = vector.broadcast %ne3A_275 : vector<1024x256xi1> to vector<1024x256xi1>
    %ne3A_277 = arith.xori %lt3A_272, %ne3A_276 : vector<1024x256xi1>
    %and3A_278 = arith.andi %ne3A_277, %ne3A_269 : vector<1024x256xi1>
    %add3A_279 = vector.broadcast %select_n3A_264 : i32 to vector<1024x256xi32>
    %add3A_280 = arith.addi %rem3A_266, %add3A_279 : vector<1024x256xi32>
    %select_n3A_281 = arith.select %and3A_278, %add3A_280, %rem3A_266 : vector<1024x256xi1>, vector<1024x256xi32>
    %convert_element_type3A_282 = arith.sitofp %select_n3A_281 : vector<1024x256xi32> to vector<1024x256xf32>
    %broadcast_in_dim3A = arith.constant 0.000000e+00 : f32
    %broadcast_in_dim3A_283 = vector.broadcast %broadcast_in_dim3A : f32 to vector<1024x256xf32>
    %dot_general3A_284 = arith.constant dense<0.000000e+00> : vector<1024x256xf32>
    %dot_general3A_285 = tpu.matmul %mul3A_169, %convert_element_type3A_258, %dot_general3A_284 {dimension_numbers = #tpu.dot_dimension_numbers<[1], [0], [0], [1], [0, 0, 1, 1], [], []>, precision = #tpu.contract_precision<fp32>, transpose_lhs_hint = false} : vector<1024x16xf32>, vector<16x256xf32>, vector<1024x256xf32> -> vector<1024x256xf32>
    %convert_element_type3A_286 = arith.sitofp %add3A_188 : vector<1024x16xi32> to vector<1024x16xf32>
    %dot_general3A_287 = arith.constant dense<0.000000e+00> : vector<1024x256xf32>
    %dot_general3A_288 = tpu.matmul %convert_element_type3A_286, %convert_element_type3A_258, %dot_general3A_287 {dimension_numbers = #tpu.dot_dimension_numbers<[1], [0], [0], [1], [0, 0, 1, 1], [], []>, precision = #tpu.contract_precision<fp32>, transpose_lhs_hint = false} : vector<1024x16xf32>, vector<16x256xf32>, vector<1024x256xf32> -> vector<1024x256xf32>
    %eq3A_289 = arith.cmpf oeq, %dot_general3A_288, %convert_element_type3A_282 : vector<1024x256xf32>
    %convert_element_type3A_290 = arith.extui %eq3A_289 : vector<1024x256xi1> to vector<1024x256xi32>
    %convert_element_type3A_291 = arith.sitofp %convert_element_type3A_290 : vector<1024x256xi32> to vector<1024x256xf32>
    %mul3A_292 = arith.mulf %dot_general3A_285, %convert_element_type3A_291 : vector<1024x256xf32>
    %add3A_293 = arith.addf %broadcast_in_dim3A_283, %mul3A_292 : vector<1024x256xf32>
    %dot_general3A_294 = arith.constant dense<0.000000e+00> : vector<1024x256xf32>
    %dot_general3A_295 = tpu.matmul %mul3A_171, %convert_element_type3A_258, %dot_general3A_294 {dimension_numbers = #tpu.dot_dimension_numbers<[1], [0], [0], [1], [0, 0, 1, 1], [], []>, precision = #tpu.contract_precision<fp32>, transpose_lhs_hint = false} : vector<1024x16xf32>, vector<16x256xf32>, vector<1024x256xf32> -> vector<1024x256xf32>
    %convert_element_type3A_296 = arith.sitofp %add3A_193 : vector<1024x16xi32> to vector<1024x16xf32>
    %dot_general3A_297 = arith.constant dense<0.000000e+00> : vector<1024x256xf32>
    %dot_general3A_298 = tpu.matmul %convert_element_type3A_296, %convert_element_type3A_258, %dot_general3A_297 {dimension_numbers = #tpu.dot_dimension_numbers<[1], [0], [0], [1], [0, 0, 1, 1], [], []>, precision = #tpu.contract_precision<fp32>, transpose_lhs_hint = false} : vector<1024x16xf32>, vector<16x256xf32>, vector<1024x256xf32> -> vector<1024x256xf32>
    %eq3A_299 = arith.cmpf oeq, %dot_general3A_298, %convert_element_type3A_282 : vector<1024x256xf32>
    %convert_element_type3A_300 = arith.extui %eq3A_299 : vector<1024x256xi1> to vector<1024x256xi32>
    %convert_element_type3A_301 = arith.sitofp %convert_element_type3A_300 : vector<1024x256xi32> to vector<1024x256xf32>
    %mul3A_302 = arith.mulf %dot_general3A_295, %convert_element_type3A_301 : vector<1024x256xf32>
    %add3A_303 = arith.addf %add3A_293, %mul3A_302 : vector<1024x256xf32>
    %dot_general3A_304 = arith.constant dense<0.000000e+00> : vector<1024x256xf32>
    %dot_general3A_305 = tpu.matmul %mul3A_173, %convert_element_type3A_258, %dot_general3A_304 {dimension_numbers = #tpu.dot_dimension_numbers<[1], [0], [0], [1], [0, 0, 1, 1], [], []>, precision = #tpu.contract_precision<fp32>, transpose_lhs_hint = false} : vector<1024x16xf32>, vector<16x256xf32>, vector<1024x256xf32> -> vector<1024x256xf32>
    %convert_element_type3A_306 = arith.sitofp %add3A_198 : vector<1024x16xi32> to vector<1024x16xf32>
    %dot_general3A_307 = arith.constant dense<0.000000e+00> : vector<1024x256xf32>
    %dot_general3A_308 = tpu.matmul %convert_element_type3A_306, %convert_element_type3A_258, %dot_general3A_307 {dimension_numbers = #tpu.dot_dimension_numbers<[1], [0], [0], [1], [0, 0, 1, 1], [], []>, precision = #tpu.contract_precision<fp32>, transpose_lhs_hint = false} : vector<1024x16xf32>, vector<16x256xf32>, vector<1024x256xf32> -> vector<1024x256xf32>
    %eq3A_309 = arith.cmpf oeq, %dot_general3A_308, %convert_element_type3A_282 : vector<1024x256xf32>
    %convert_element_type3A_310 = arith.extui %eq3A_309 : vector<1024x256xi1> to vector<1024x256xi32>
    %convert_element_type3A_311 = arith.sitofp %convert_element_type3A_310 : vector<1024x256xi32> to vector<1024x256xf32>
    %mul3A_312 = arith.mulf %dot_general3A_305, %convert_element_type3A_311 : vector<1024x256xf32>
    %add3A_313 = arith.addf %add3A_303, %mul3A_312 : vector<1024x256xf32>
    %dot_general3A_314 = arith.constant dense<0.000000e+00> : vector<1024x256xf32>
    %dot_general3A_315 = tpu.matmul %mul3A_175, %convert_element_type3A_258, %dot_general3A_314 {dimension_numbers = #tpu.dot_dimension_numbers<[1], [0], [0], [1], [0, 0, 1, 1], [], []>, precision = #tpu.contract_precision<fp32>, transpose_lhs_hint = false} : vector<1024x16xf32>, vector<16x256xf32>, vector<1024x256xf32> -> vector<1024x256xf32>
    %convert_element_type3A_316 = arith.sitofp %add3A_203 : vector<1024x16xi32> to vector<1024x16xf32>
    %dot_general3A_317 = arith.constant dense<0.000000e+00> : vector<1024x256xf32>
    %dot_general3A_318 = tpu.matmul %convert_element_type3A_316, %convert_element_type3A_258, %dot_general3A_317 {dimension_numbers = #tpu.dot_dimension_numbers<[1], [0], [0], [1], [0, 0, 1, 1], [], []>, precision = #tpu.contract_precision<fp32>, transpose_lhs_hint = false} : vector<1024x16xf32>, vector<16x256xf32>, vector<1024x256xf32> -> vector<1024x256xf32>
    %eq3A_319 = arith.cmpf oeq, %dot_general3A_318, %convert_element_type3A_282 : vector<1024x256xf32>
    %convert_element_type3A_320 = arith.extui %eq3A_319 : vector<1024x256xi1> to vector<1024x256xi32>
    %convert_element_type3A_321 = arith.sitofp %convert_element_type3A_320 : vector<1024x256xi32> to vector<1024x256xf32>
    %mul3A_322 = arith.mulf %dot_general3A_315, %convert_element_type3A_321 : vector<1024x256xf32>
    %add3A_323 = arith.addf %add3A_313, %mul3A_322 : vector<1024x256xf32>
    %dot_general3A_324 = arith.constant dense<0.000000e+00> : vector<1024x256xf32>
    %dot_general3A_325 = tpu.matmul %mul3A_177, %convert_element_type3A_258, %dot_general3A_324 {dimension_numbers = #tpu.dot_dimension_numbers<[1], [0], [0], [1], [0, 0, 1, 1], [], []>, precision = #tpu.contract_precision<fp32>, transpose_lhs_hint = false} : vector<1024x16xf32>, vector<16x256xf32>, vector<1024x256xf32> -> vector<1024x256xf32>
    %convert_element_type3A_326 = arith.sitofp %add3A_208 : vector<1024x16xi32> to vector<1024x16xf32>
    %dot_general3A_327 = arith.constant dense<0.000000e+00> : vector<1024x256xf32>
    %dot_general3A_328 = tpu.matmul %convert_element_type3A_326, %convert_element_type3A_258, %dot_general3A_327 {dimension_numbers = #tpu.dot_dimension_numbers<[1], [0], [0], [1], [0, 0, 1, 1], [], []>, precision = #tpu.contract_precision<fp32>, transpose_lhs_hint = false} : vector<1024x16xf32>, vector<16x256xf32>, vector<1024x256xf32> -> vector<1024x256xf32>
    %eq3A_329 = arith.cmpf oeq, %dot_general3A_328, %convert_element_type3A_282 : vector<1024x256xf32>
    %convert_element_type3A_330 = arith.extui %eq3A_329 : vector<1024x256xi1> to vector<1024x256xi32>
    %convert_element_type3A_331 = arith.sitofp %convert_element_type3A_330 : vector<1024x256xi32> to vector<1024x256xf32>
    %mul3A_332 = arith.mulf %dot_general3A_325, %convert_element_type3A_331 : vector<1024x256xf32>
    %add3A_333 = arith.addf %add3A_323, %mul3A_332 : vector<1024x256xf32>
    %dot_general3A_334 = arith.constant dense<0.000000e+00> : vector<1024x256xf32>
    %dot_general3A_335 = tpu.matmul %mul3A_179, %convert_element_type3A_258, %dot_general3A_334 {dimension_numbers = #tpu.dot_dimension_numbers<[1], [0], [0], [1], [0, 0, 1, 1], [], []>, precision = #tpu.contract_precision<fp32>, transpose_lhs_hint = false} : vector<1024x16xf32>, vector<16x256xf32>, vector<1024x256xf32> -> vector<1024x256xf32>
    %convert_element_type3A_336 = arith.sitofp %add3A_213 : vector<1024x16xi32> to vector<1024x16xf32>
    %dot_general3A_337 = arith.constant dense<0.000000e+00> : vector<1024x256xf32>
    %dot_general3A_338 = tpu.matmul %convert_element_type3A_336, %convert_element_type3A_258, %dot_general3A_337 {dimension_numbers = #tpu.dot_dimension_numbers<[1], [0], [0], [1], [0, 0, 1, 1], [], []>, precision = #tpu.contract_precision<fp32>, transpose_lhs_hint = false} : vector<1024x16xf32>, vector<16x256xf32>, vector<1024x256xf32> -> vector<1024x256xf32>
    %eq3A_339 = arith.cmpf oeq, %dot_general3A_338, %convert_element_type3A_282 : vector<1024x256xf32>
    %convert_element_type3A_340 = arith.extui %eq3A_339 : vector<1024x256xi1> to vector<1024x256xi32>
    %convert_element_type3A_341 = arith.sitofp %convert_element_type3A_340 : vector<1024x256xi32> to vector<1024x256xf32>
    %mul3A_342 = arith.mulf %dot_general3A_335, %convert_element_type3A_341 : vector<1024x256xf32>
    %add3A_343 = arith.addf %add3A_333, %mul3A_342 : vector<1024x256xf32>
    %dot_general3A_344 = arith.constant dense<0.000000e+00> : vector<1024x256xf32>
    %dot_general3A_345 = tpu.matmul %mul3A_181, %convert_element_type3A_258, %dot_general3A_344 {dimension_numbers = #tpu.dot_dimension_numbers<[1], [0], [0], [1], [0, 0, 1, 1], [], []>, precision = #tpu.contract_precision<fp32>, transpose_lhs_hint = false} : vector<1024x16xf32>, vector<16x256xf32>, vector<1024x256xf32> -> vector<1024x256xf32>
    %convert_element_type3A_346 = arith.sitofp %add3A_218 : vector<1024x16xi32> to vector<1024x16xf32>
    %dot_general3A_347 = arith.constant dense<0.000000e+00> : vector<1024x256xf32>
    %dot_general3A_348 = tpu.matmul %convert_element_type3A_346, %convert_element_type3A_258, %dot_general3A_347 {dimension_numbers = #tpu.dot_dimension_numbers<[1], [0], [0], [1], [0, 0, 1, 1], [], []>, precision = #tpu.contract_precision<fp32>, transpose_lhs_hint = false} : vector<1024x16xf32>, vector<16x256xf32>, vector<1024x256xf32> -> vector<1024x256xf32>
    %eq3A_349 = arith.cmpf oeq, %dot_general3A_348, %convert_element_type3A_282 : vector<1024x256xf32>
    %convert_element_type3A_350 = arith.extui %eq3A_349 : vector<1024x256xi1> to vector<1024x256xi32>
    %convert_element_type3A_351 = arith.sitofp %convert_element_type3A_350 : vector<1024x256xi32> to vector<1024x256xf32>
    %mul3A_352 = arith.mulf %dot_general3A_345, %convert_element_type3A_351 : vector<1024x256xf32>
    %add3A_353 = arith.addf %add3A_343, %mul3A_352 : vector<1024x256xf32>
    %dot_general3A_354 = arith.constant dense<0.000000e+00> : vector<1024x256xf32>
    %dot_general3A_355 = tpu.matmul %mul3A_183, %convert_element_type3A_258, %dot_general3A_354 {dimension_numbers = #tpu.dot_dimension_numbers<[1], [0], [0], [1], [0, 0, 1, 1], [], []>, precision = #tpu.contract_precision<fp32>, transpose_lhs_hint = false} : vector<1024x16xf32>, vector<16x256xf32>, vector<1024x256xf32> -> vector<1024x256xf32>
    %convert_element_type3A_356 = arith.sitofp %add3A_223 : vector<1024x16xi32> to vector<1024x16xf32>
    %dot_general3A_357 = arith.constant dense<0.000000e+00> : vector<1024x256xf32>
    %dot_general3A_358 = tpu.matmul %convert_element_type3A_356, %convert_element_type3A_258, %dot_general3A_357 {dimension_numbers = #tpu.dot_dimension_numbers<[1], [0], [0], [1], [0, 0, 1, 1], [], []>, precision = #tpu.contract_precision<fp32>, transpose_lhs_hint = false} : vector<1024x16xf32>, vector<16x256xf32>, vector<1024x256xf32> -> vector<1024x256xf32>
    %eq3A_359 = arith.cmpf oeq, %dot_general3A_358, %convert_element_type3A_282 : vector<1024x256xf32>
    %convert_element_type3A_360 = arith.extui %eq3A_359 : vector<1024x256xi1> to vector<1024x256xi32>
    %convert_element_type3A_361 = arith.sitofp %convert_element_type3A_360 : vector<1024x256xi32> to vector<1024x256xf32>
    %mul3A_362 = arith.mulf %dot_general3A_355, %convert_element_type3A_361 : vector<1024x256xf32>
    %add3A_363 = arith.addf %add3A_353, %mul3A_362 : vector<1024x256xf32>
    %get3A_364 = arith.constant 0 : index
    %get3A_365 = arith.constant 0 : index
    %get3A_366 = vector.load %arg5[%get3A_364, %get3A_365] : memref<256x256xf32, #tpu.memory_space<vmem>>, vector<256x256xf32>
    %dot_general3A_367 = arith.constant dense<0.000000e+00> : vector<1024x256xf32>
    %dot_general3A_368 = tpu.matmul %add3A_363, %get3A_366, %dot_general3A_367 {dimension_numbers = #tpu.dot_dimension_numbers<[1], [0], [0], [1], [0, 0, 1, 1], [], []>, precision = #tpu.contract_precision<fp32>, transpose_lhs_hint = false} : vector<1024x256xf32>, vector<256x256xf32>, vector<1024x256xf32> -> vector<1024x256xf32>
    %get3A_369 = arith.constant 0 : index
    %get3A_370 = arith.constant 0 : index
    %get3A_371 = vector.load %arg2[%get3A_369, %get3A_370] : memref<1024x256xf32, #tpu.memory_space<vmem>>, vector<1024x256xf32>
    %mul3A_372 = arith.mulf %get3A_371, %dot_general3A_368 : vector<1024x256xf32>
    %iota3A_373 = tpu.iota {dimensions = array<i32: 0>} : vector<256x16xi32>
    %iota3A_374 = tpu.iota {dimensions = array<i32: 1>} : vector<256x16xi32>
    %jit3A_375 = arith.constant 16 : i32
    %eq3A_376 = arith.constant 0 : i32
    %eq3A_377 = arith.cmpi eq, %jit3A_375, %eq3A_376 : i32
    %jit3A_378 = arith.constant 1 : i32
    %select_n3A_379 = arith.select %eq3A_377, %jit3A_378, %jit3A_375 : i32
    %rem3A_380 = vector.broadcast %select_n3A_379 : i32 to vector<256x16xi32>
    %rem3A_381 = arith.remsi %iota3A_373, %rem3A_380 : vector<256x16xi32>
    %ne3A_382 = arith.constant 0 : i32
    %ne3A_383 = vector.broadcast %ne3A_382 : i32 to vector<256x16xi32>
    %ne3A_384 = arith.cmpi ne, %rem3A_381, %ne3A_383 : vector<256x16xi32>
    %lt3A_385 = arith.constant 0 : i32
    %lt3A_386 = vector.broadcast %lt3A_385 : i32 to vector<256x16xi32>
    %lt3A_387 = arith.cmpi slt, %rem3A_381, %lt3A_386 : vector<256x16xi32>
    %lt3A_388 = arith.constant 0 : i32
    %lt3A_389 = arith.cmpi slt, %select_n3A_379, %lt3A_388 : i32
    %ne3A_390 = vector.broadcast %lt3A_389 : i1 to vector<256x16xi1>
    %ne3A_391 = vector.broadcast %ne3A_390 : vector<256x16xi1> to vector<256x16xi1>
    %ne3A_392 = arith.xori %lt3A_387, %ne3A_391 : vector<256x16xi1>
    %and3A_393 = arith.andi %ne3A_392, %ne3A_384 : vector<256x16xi1>
    %add3A_394 = vector.broadcast %select_n3A_379 : i32 to vector<256x16xi32>
    %add3A_395 = arith.addi %rem3A_381, %add3A_394 : vector<256x16xi32>
    %select_n3A_396 = arith.select %and3A_393, %add3A_395, %rem3A_381 : vector<256x16xi1>, vector<256x16xi32>
    %eq3A_397 = arith.cmpi eq, %select_n3A_396, %iota3A_374 : vector<256x16xi32>
    %convert_element_type3A_398 = arith.extui %eq3A_397 : vector<256x16xi1> to vector<256x16xi32>
    %convert_element_type3A_399 = arith.sitofp %convert_element_type3A_398 : vector<256x16xi32> to vector<256x16xf32>
    %dot_general3A_400 = arith.constant dense<0.000000e+00> : vector<1024x16xf32>
    %dot_general3A_401 = tpu.matmul %mul3A_372, %convert_element_type3A_399, %dot_general3A_400 {dimension_numbers = #tpu.dot_dimension_numbers<[1], [0], [0], [1], [0, 0, 1, 1], [], []>, precision = #tpu.contract_precision<fp32>, transpose_lhs_hint = false} : vector<1024x256xf32>, vector<256x16xf32>, vector<1024x16xf32> -> vector<1024x16xf32>
    %swap3A = arith.constant 0 : index
    %swap3A_402 = arith.constant 0 : index
    %swap3A_403 = vector.load %arg6[%swap3A, %swap3A_402] : memref<1024x16xf32, #tpu.memory_space<vmem>>, vector<1024x16xf32>
    tpu.vector_store %arg6[%swap3A, %swap3A_402], %dot_general3A_401 {strides = array<i32>} : memref<1024x16xf32, #tpu.memory_space<vmem>>, vector<1024x16xf32>,
    return
  }
  func.func @transform_0(%arg0: i32) -> (i32, i32) {
    %c0_i32 = arith.constant 0 : i32
    %c0_i32_0 = arith.constant 0 : i32
    return %arg0, %c0_i32 : i32, i32
  }
  func.func @transform_1(%arg0: i32) -> (i32, i32) {
    %c0_i32 = arith.constant 0 : i32
    %c0_i32_0 = arith.constant 0 : i32
    return %arg0, %c0_i32 : i32, i32
  }
  func.func @transform_2(%arg0: i32) -> (i32, i32) {
    %c0_i32 = arith.constant 0 : i32
    %c0_i32_0 = arith.constant 0 : i32
    return %arg0, %c0_i32 : i32, i32
  }
  func.func @transform_3(%arg0: i32) -> (i32, i32) {
    %c0_i32 = arith.constant 0 : i32
    %c0_i32_0 = arith.constant 0 : i32
    return %arg0, %c0_i32 : i32, i32
  }
  func.func @transform_4(%arg0: i32) -> (i32, i32) {
    %c0_i32 = arith.constant 0 : i32
    %c0_i32_0 = arith.constant 0 : i32
    %c0_i32_1 = arith.constant 0 : i32
    return %c0_i32, %c0_i32_0 : i32, i32
  }
  func.func @transform_5(%arg0: i32) -> (i32, i32) {
    %c0_i32 = arith.constant 0 : i32
    %c0_i32_0 = arith.constant 0 : i32
    return %arg0, %c0_i32 : i32, i32
  }
}

</mosaic_0001>

<sc_bundles>
// kernel: kernel.4.cloned.1.call-start
scs
__scs_entry_jumppad:
0x0: {  	(pc) =	sbr.rel $0x88, $3  }
0x1: {  	(tag) =	ssettag $0x0;
	lr =	simm.s32 $0x1  }
0x2: {  	[smem:$0x3F9B] =	sst lr;
	_ =	strace $0xD0000000  }
0x3: {  	_ = 	snop  }
0x4: {  	_ = 	snop  }
0x5: {  	_ = 	snop  }
0x6: {  	_ = 	snop  }
0x7: {  	_ = 	snop  }
__scs_overlays_trampoline_lowered:
0x8: {  	[smem:$0x3FAA] =	sst s0  }
0x9: {  	[smem:$0x3FAB] =	sst s1  }
0xa: {  	[smem:$0x3FAC] =	sst s2  }
0xb: {  	[smem:$0x3FAD] =	sst s3  }
0xc: {  	[smem:$0x3FAE] =	sst s4  }
0xd: {  	[smem:$0x3FAF] =	sst s5  }
0xe: {  	[smem:$0x3FB0] =	sst s6  }
0xf: {  	[smem:$0x3FB1] =	sst s7  }
0x10: {  	[smem:$0x3FB2] =	sst s8  }
0x11: {  	[smem:$0x3FB3] =	sst s9;
	s0 =	simm.s32 @!p0 $0x0  }
0x12: {  	s1 =	sld [smem:$0x3F99];
	s0 =	simm.s32 @p0 $0x1  }
0x13: {  	[smem:$0x3FB4] =	sst s0;
	s0 =	simm.s32 @!p1 $0x0  }
0x14: {  	s2 =	sld [smem:$0x3F98];
	s0 =	simm.s32 @p1 $0x1  }
0x15: {  	[smem:$0x3FB5] =	sst s0;
	s0 =	simm.s32 @!p2 $0x0  }
0x16: {  	s3 =	sld [smem:$0x3FDB];
	s0 =	simm.s32 @p2 $0x1  }
0x17: {  	s4 =	simm.s32 $0x1BF5;
	[smem:$0x3FB7] =	sst s0  }
0x18: {  	s0 =	sld [smem:$0x3F9A];
	_ =	swait.ge [sflag:s4], $0x0  }
0x19: {  	s7 =	sld [smem:$0x3F9B]  }
0x1a: {  	s8 =	sadd.s32 $0xFFFFE003, lr  }
0x1b: {  	s9 =	sadd.s32 $0xFFFFFEF7, lr;
	s5 =	simm.s32 $0xFFFFFFFF;
	p2 =	slt.u32 s8, $0xFFFFF086  }
0x1c: {  	p1 =	slt.u32 s9, $0xF7A;
	s5 =	simm.s32 @!p2 $0x0  }
0x1d: {  	s5 =	simm.s32 @p1 $0x1;
	p0 =	seq.s32 s7, s2  }
0x1e: {  	s7 =	smul.u32 @!p0 $0xF7A, s2;
	p2 =	seq.s32 @!p0 s5, $0x0  }
0x1f: {  	s9 =	smul.u32 $0xF7A, s1;
	s8 =	simm.s32 @!p0 $0x1BF5;
	p2 =	por !p2, p0  }
0x20: {  	[sflag:s8] =	ssyncset.s32 @!p0 $0xFFFFF086;
	s6 =	sadd.s32 @!p0 s3, s7;
	s7 =	simm.s32 @!p0 $0x108  }
0x21: {  	s3 =	sadd.s32 s3, s9;
	s6 =	sadd.s32 @!p0 $0x88, s6;
	s7 =	simm.s32 @p2 $0x1082  }
0x22: {  	[simem:s7], [sflag:s8] =	dma.local @!p0 [hbm:s6], $0xF7A  }
0x23: {  	s9 =	sor.u32 $0xD0000000, s2;
	s6 =	simm.s32 $0x108;
	_ =	swait.ge @!p0 [sflag:s8], $0x0  }
0x24: {  	s3 =	sadd.s32 $0x88, s3;
	s6 =	simm.s32 @!p1 $0x1082;
	[sflag:s4] =	ssyncset.s32 $0xFFFFF086  }
0x25: {  	[simem:s6], [sflag:s4] =	dma.local [hbm:s3], $0xF7A  }
0x26: {  	[smem:$0x3F9B] =	sst s1;
	(tag) =	ssettag s2;
	_ =	strace s9  }
0x27: {  	s1 =	sld [smem:$0x3FAB]  }
0x28: {  	s2 =	sld [smem:$0x3FAC]  }
0x29: {  	s4 =	sld [smem:$0x3FAE]  }
0x2a: {  	p0 =	seq.s32 s5, $0x0;
	s5 =	sld [smem:$0x3FAF]  }
0x2b: {  	s6 =	sld [smem:$0x3FB0]  }
0x2c: {  	s7 =	sld [smem:$0x3FB1]  }
0x2d: {  	s3 =	simm.s32 $0x108;
	s8 =	sld [smem:$0x3FB2]  }
0x2e: {  	s3 =	simm.s32 @!p0 $0x1082;
	s9 =	sld [smem:$0x3FB3]  }
0x2f: {  	lr =	sadd.s32 s0, s3;
	s0 =	sld [smem:$0x3FAA]  }
0x30: {  	s3 =	sld [smem:$0x3FAD]  }
0x31: {  	[smem:$0x3FB6] =	sst s10  }
0x32: {  	s10 =	sld [smem:$0x3FB4];
	_ =	sdelay $0x3  }
0x33: {  	p0 =	seq.s32 s10, $0x1;
	s10 =	sld [smem:$0x3FB6];
	_ =	sdelay $0x3  }
0x34: {  	[smem:$0x3FB6] =	sst s10  }
0x35: {  	s10 =	sld [smem:$0x3FB5];
	_ =	sdelay $0x3  }
0x36: {  	p1 =	seq.s32 s10, $0x1;
	s10 =	sld [smem:$0x3FB6];
	_ =	sdelay $0x3  }
0x37: {  	[smem:$0x3FB6] =	sst s10  }
0x38: {  	s10 =	sld [smem:$0x3FB7]  }
0x39: {  	_ = 	snop;
	(pc) =	sbr.ind lr, $3  }
0x3a: {  	_ = 	snop  }
0x3b: {  	_ = 	snop  }
0x3c: {  	p2 =	seq.s32 s10, $0x1;
	s10 =	sld [smem:$0x3FB6]  }
0x3d: {  	_ =	shalt  }
0x3e: {  	_ =	shalt  }
0x3f: {  	_ =	shalt  }
0x40: {  	_ =	shalt  }
0x41: {  	_ =	shalt  }
0x42: {  	_ =	shalt  }
0x43: {  	_ =	shalt  }
0x44: {  	_ =	shalt  }
0x45: {  	_ =	shalt  }
0x46: {  	_ =	shalt  }
0x47: {  	_ =	shalt  }
0x48: {  	_ =	shalt  }
0x49: {  	_ =	shalt  }
0x4a: {  	_ =	shalt  }
0x4b: {  	_ =	shalt  }
0x4c: {  	_ =	shalt  }
0x4d: {  	_ =	shalt  }
0x4e: {  	_ =	shalt  }
0x4f: {  	_ =	shalt  }
0x50: {  	_ =	shalt  }
0x51: {  	_ =	shalt  }
0x52: {  	_ =	shalt  }
0x53: {  	_ =	shalt  }
0x54: {  	_ =	shalt  }
0x55: {  	_ =	shalt  }
0x56: {  	_ =	shalt  }
0x57: {  	_ =	shalt  }
0x58: {  	_ =	shalt  }
0x59: {  	_ =	shalt  }
0x5a: {  	_ =	shalt  }
0x5b: {  	_ =	shalt  }
0x5c: {  	_ =	shalt  }
0x5d: {  	_ =	shalt  }
0x5e: {  	_ =	shalt  }
0x5f: {  	_ =	shalt  }
0x60: {  	_ =	shalt  }
0x61: {  	_ =	shalt  }
0x62: {  	_ =	shalt  }
0x63: {  	_ =	shalt  }
0x64: {  	_ =	shalt  }
0x65: {  	_ =	shalt  }
0x66: {  	_ =	shalt  }
0x67: {  	_ =	shalt  }
0x68: {  	_ =	shalt  }
0x69: {  	_ =	shalt  }
0x6a: {  	_ =	shalt  }
0x6b: {  	_ =	shalt  }
0x6c: {  	_ =	shalt  }
0x6d: {  	_ =	shalt  }
0x6e: {  	_ =	shalt  }
0x6f: {  	_ =	shalt  }
0x70: {  	_ =	shalt  }
0x71: {  	_ =	shalt  }
0x72: {  	_ =	shalt  }
0x73: {  	_ =	shalt  }
0x74: {  	_ =	shalt  }
0x75: {  	_ =	shalt  }
0x76: {  	_ =	shalt  }
0x77: {  	_ =	shalt  }
0x78: {  	_ =	shalt  }
0x79: {  	_ =	shalt  }
0x7a: {  	_ =	shalt  }
0x7b: {  	_ =	shalt  }
0x7c: {  	_ =	shalt  }
0x7d: {  	_ =	shalt  }
0x7e: {  	_ =	shalt  }
0x7f: {  	_ =	shalt  }
0x80: {  	_ =	shalt  }
0x81: {  	_ =	shalt  }
0x82: {  	_ =	shalt  }
0x83: {  	_ =	shalt  }
0x84: {  	_ =	shalt  }
0x85: {  	_ =	shalt  }
0x86: {  	_ =	shalt  }
0x87: {  	_ =	shalt  }
.Lfunc_end0:
.L_simem_size_0:
called_computation_lowered:
.L_overlay_start_0:
0x88: {  	s2 =	sld [smem:$0x3FD9]  }
0x89: {  	s3 =	sld [smem:$0x3FFE];
	_ =	sdelay $0x1  }
0x8a: {  	s1 =	srdreg.scid  }
0x8b: {  	s0 =	sand.u32 $0x1, s1  }
0x8c: {  	s17 =	sshll.u32 s0, $0xA;
	s2 =	sadd.s32 s3, s2  }
0x8d: {  	s2 =	sadd.s32 s2, s17  }
0x8e: {  	[smem:$0x3FC2] =	sst s2  }
0x8f: {  	_ = 	snop  }
0x90: {  	s2 =	sld [smem:$0x3FD0];
	(tm) =	ssettm $0x1  }
0x91: {  	s18 =	sld [smem:$0x3FFB];
	_ =	sdelay $0x3  }
0x92: {  	_ =	strace s18  }
0x93: {  	s3 =	sld [smem:$0x3FFC];
	_ =	sdelay $0x3  }
0x94: {  	_ =	strace s3  }
0x95: {  	s3 =	sld [smem:$0x3FFD];
	_ =	sdelay $0x3  }
0x96: {  	_ =	strace s3  }
0x97: {  	_ =	strace $0x8FFFFFFF  }
0x98: {  	s19 =	sld [smem:$0x3FDB];
	_ =	sdelay $0x1  }
0x99: {  	s4 =	simm.s32 $_scs_section_size  }
0x9a: {  	s5 =	simm.s32 $_size__tile_overlayer_lowered;
	s6 =	simm.s32 $_tile_overlayer_lowered  }
0x9b: {  	s22 =	simm.s32 $0x1BFF;
	s21 =	sshll.u32 s6, $0x1;
	s3 =	sadd.s32 s4, s19  }
0x9c: {  	s7 =	simm.s32 $0x0;
	s20 =	sshll.u32 s5, $0x1;
	s5 =	sadd.s32 s21, s3  }
0x9d: {  	[timem:s7], [sflag:s22] =	dma.local [hbm:s5], s20  }
0x9e: {  	_ =	swait.ge [sflag:s22], s20  }
0x9f: {  	s4 =	ssub.s32 $0x0, s20;
	[sflag:s22] =	ssyncset.done $0x0  }
0xa0: {  	[sflag:s22] =	ssyncadd.s32 s4;
	_ =	sdelay $0x1  }
0xa1: {  	s23 =	simm.s32 $0x1B8B  }
0xa2: {  	_ =	swait.ge [sflag:s23], $0x1  }
0xa3: {  	[sflag:s23] =	ssyncset.done $0x0  }
0xa4: {  	s25 =	simm.s32 $0x1B8E;
	s24 =	sld [smem:$0x3FFE];
	[sflag:s23] =	ssyncadd.s32 $0xFFFFFFFF  }
0xa5: {  	s26 =	simm.s32 $execute0_lowered;
	[smem:$0x3FD2] =	sst s25  }
0xa6: {  	s5 =	sshll.u32 s26, $0x1;
	_ =	strace $0x80000046;
	[dreg:$0x1] =	wrdreg $0xFFFFFFFF  }
0xa7: {  	s28 =	simm.s32 $_size_execute0_lowered;
	s3 =	sadd.s32 s3, s5;
	[dreg:$0x0] =	wrdreg $0x0  }
0xa8: {  	s5 =	sshll.u32 s28, $0x1;
	[dreg:$0x2] =	wrdreg s3  }
0xa9: {  	[dreg:$0x3] =	wrdreg s5  }
0xaa: {  	[dreg:$0x4] =	wrdreg $0xC0  }
0xab: {  	_ =	task [dreg:s7], $0x5FFFF  }
0xac: {  	[dreg:$0x1] =	wrdreg $0xFFFFFFFF  }
0xad: {  	[dreg:$0x0] =	wrdreg $0x60  }
0xae: {  	[dreg:$0x2] =	wrdreg s24  }
0xaf: {  	[dreg:$0x3] =	wrdreg s2  }
0xb0: {  	[dreg:$0x4] =	wrdreg $0x9  }
0xb1: {  	_ =	task.clear_ibuf [dreg:s7], $0x5FFFF;
	_ =	strace $0x90000046  }
0xb2: {  	s29 =	simm.s32 $0x9;
	_ =	strace $0x80000048  }
0xb3: {  	_ =	swait.ge [sflag:s29], $0x1  }
0xb4: {  	[sflag:s29] =	ssyncadd.s32 $0xFFFFFFFF  }
0xb5: {  	_ =	strace $0x90000048  }
0xb6: {  	_ =	sfence  }
0xb7: {  	s30 =	sld [smem:$0x0];
	_ =	sdelay $0x2  }
0xb8: {  	s31 =	sshll.u32 s1, $0xD;
	s1 =	sshrl.u32 s1, $0x2  }
0xb9: {  	s3 =	sand.u32 $0x4000, s31;
	s1 =	sadd.s32 s1, s30  }
0xba: {  	s0 =	sor.u32 s3, s0;
	s1 =	sshll.u32 s1, $0x11  }
0xbb: {  	s0 =	sor.u32 s1, s0  }
0xbc: {  	s0 =	sadd.s32 $0x8F2B, s0  }
0xbd: {  	[sflag:s0] =	ssyncadd.remote.s32 $0x1  }
0xbe: {  	_ =	sfence.sel $0xFFFF  }
0xbf: {  	[dreg:$0x0] =	wrdreg $0xFFFFFFFF;
	(pc) =	sbr.abs _section_cstart, $3  }
0xc0: {  	[dreg:$0x1] =	wrdreg $0xFFFFFFFF  }
0xc1: {  	_ =	task.clear_ibuf [dreg:s7], $0x2FFFF;
	_ =	strace $0x9FFFFFFF  }
0xc2: {  	(tm) =	ssettm $0x7FFFFFFF  }
0xc3: {  	_ =	shalt  }
tec
execute0_lowered:
.L_overlay_start_1:
0x0: {  	(tag) =	ssettag $0x1  }
0x1: {  	s5 =	rddreg [dreg:$0x0]  }
0x2: {  	s2 =	rddreg [dreg:$0x1];
	s3 =	srdreg.scid  }
0x3: {  	s0 =	rddreg [dreg:$0x2];
	s1 =	stileid.u32  }
0x4: {  	s12 =	simm.s32 $0x3000;
	s13 =	simm.s32 $0x2400;
	s14 =	simm.s32 $0x3800  }
0x5: {  	s15 =	simm.s32 $0x2800;
	s16 =	simm.s32 $0x4000;
	s17 =	simm.s32 $0x2C00  }
0x6: {  	s18 =	simm.s32 $0x4800;
	s19 =	simm.s32 $0x1;
	s20 =	simm.s32 $0x2  }
0x7: {  	s21 =	simm.s32 $0x0;
	s6 =	sand.u32 $0x1, s3;
	s3 =	simm.s32 $0x0  }
0x8: {  	s7 =	sshll.u32 s1, $0xE;
	s4 =	sadd.s32 $0x1400, s5;
	s10 =	sshll.u32 s1, $0xF  }
0x9: {  	s8 =	sshll.u32 s6, $0xD;
	[smem:$0x7FF] =	sst s3;
	s11 =	ssub.s32 $0x2, s6  }
0xa: {  	s10 =	sadd.s32 s10, s5;
	s31 =	sshll.u32 s6, $0xE;
	s9 =	sor.u32 s8, s7  }
0xb: {  	_ =	strace $0x80000047;
	s7 =	sadd.s32 s7, s5;
	s30 =	sshrl.u32 s11, $0x1  }
0xc: {  	s9 =	sshrl.u32 s9, $0x3;
	s11 =	ssub.s32 s11, s30;
	s8 =	sadd.s32 s8, s7  }
0xd: {  	s9 =	sadd.s32 s9, s5;
	s6 =	smax.u32 s11, $0x1;
	s8 =	sadd.s32 $0x8D500, s8  }
0xe: {  	s11 =	simm.s32 $0x2000;
	s5 =	sadd.s32 $0x5400, s9;
	s9 =	sadd.s32 s31, s10  }
0xf: {  	s10 =	simm.s32 $0x80;
	s7 =	sadd.s32 $0xD400, s9;
	s9 =	simm.s32 $0x3  }
.LBB2_1:
0x10: {  	[tilespmem:s3], [sflag:$0x3] =	stream.linear.gather [hbm4b:s5+s3], $0x2000, $0x38;
	[tilespmem:$0x5000] =	vst v63  }
0x11: {  	_ =	swait.ge [sflag:s9], $0x2000  }
0x12: {  	[sflag:s9] =	ssyncset.done $0x0  }
0x13: {  	s22 =	simm.s32 $0x0;
	[sflag:s9] =	ssyncadd.s32 $0xFFFFE000  }
0x14: {  	[tilespmem:s11], [sflag:$0x1] =	stream.indirect.gather [hbm4b:s4+s10], $0x8, s22, s10, $0xb8;
	[tilespmem:$0x5000] =	vst v63  }
0x15: {  	_ = 	snop  }
0x16: {  	[tilespmem:s12], [sflag:$0x2] =	stream.indirect.gather [hbm4b:s2+s10], $0x10, s22, s10, $0xb8;
	[tilespmem:$0x5000] =	vst v63  }
0x17: {  	s23 =	simm.s32 $0x80  }
0x18: {  	[tilespmem:s13], [sflag:$0x1] =	stream.indirect.gather [hbm4b:s4+s10], $0x8, s23, s10, $0xb8;
	[tilespmem:$0x5000] =	vst v63  }
0x19: {  	_ = 	snop  }
0x1a: {  	[tilespmem:s14], [sflag:$0x2] =	stream.indirect.gather [hbm4b:s2+s10], $0x10, s23, s10, $0xb8;
	[tilespmem:$0x5000] =	vst v63  }
0x1b: {  	s24 =	simm.s32 $0x100  }
0x1c: {  	[tilespmem:s15], [sflag:$0x1] =	stream.indirect.gather [hbm4b:s4+s10], $0x8, s24, s10, $0xb8;
	[tilespmem:$0x5000] =	vst v63  }
0x1d: {  	_ = 	snop  }
0x1e: {  	[tilespmem:s16], [sflag:$0x2] =	stream.indirect.gather [hbm4b:s2+s10], $0x10, s24, s10, $0xb8;
	[tilespmem:$0x5000] =	vst v63  }
0x1f: {  	s25 =	simm.s32 $0x180  }
0x20: {  	[tilespmem:s17], [sflag:$0x1] =	stream.indirect.gather [hbm4b:s4+s10], $0x8, s25, s10, $0xb8;
	[tilespmem:$0x5000] =	vst v63  }
0x21: {  	_ = 	snop  }
0x22: {  	[tilespmem:s18], [sflag:$0x2] =	stream.indirect.gather [hbm4b:s2+s10], $0x10, s25, s10, $0xb8;
	[tilespmem:$0x5000] =	vst v63  }
0x23: {  	_ =	swait.ge [sflag:s19], $0x400  }
0x24: {  	[sflag:s19] =	ssyncset.done $0x0  }
0x25: {  	[sflag:s19] =	ssyncadd.s32 $0xFFFFFC00  }
0x26: {  	_ =	swait.ge [sflag:s20], $0x800  }
0x27: {  	[sflag:s20] =	ssyncset.done $0x0  }
0x28: {  	[sflag:s20] =	ssyncadd.s32 $0xFFFFF800  }
0x29: {  	_ =	swait.ge [sflag:s19], $0x400  }
0x2a: {  	[sflag:s19] =	ssyncset.done $0x0  }
0x2b: {  	[sflag:s19] =	ssyncadd.s32 $0xFFFFFC00  }
0x2c: {  	_ =	swait.ge [sflag:s20], $0x800  }
0x2d: {  	[sflag:s20] =	ssyncset.done $0x0  }
0x2e: {  	[sflag:s20] =	ssyncadd.s32 $0xFFFFF800  }
0x2f: {  	_ =	swait.ge [sflag:s19], $0x400  }
0x30: {  	[sflag:s19] =	ssyncset.done $0x0  }
0x31: {  	[sflag:s19] =	ssyncadd.s32 $0xFFFFFC00  }
0x32: {  	_ =	swait.ge [sflag:s20], $0x800  }
0x33: {  	[sflag:s20] =	ssyncset.done $0x0  }
0x34: {  	[sflag:s20] =	ssyncadd.s32 $0xFFFFF800  }
0x35: {  	_ =	swait.ge [sflag:s19], $0x400  }
0x36: {  	[sflag:s19] =	ssyncset.done $0x0  }
0x37: {  	[sflag:s19] =	ssyncadd.s32 $0xFFFFFC00  }
0x38: {  	_ =	swait.ge [sflag:s20], $0x800  }
0x39: {  	[sflag:s20] =	ssyncset.done $0x0  }
0x3a: {  	s26 =	sadd.s32 $0xFFFFFF00, s8;
	[sflag:s20] =	ssyncadd.s32 $0xFFFFF800  }
0x3b: {  	[hbm4b:s26+s3] =	stream.linear.scatter [tilespmem:s11], [sflag:$0x3], $0x400, $0x38;
	[tilespmem:$0x5000] =	vst v63  }
0x3c: {  	_ =	swait.ge [sflag:s9], $0x400  }
0x3d: {  	[sflag:s9] =	ssyncset.done $0x0  }
0x3e: {  	s28 =	sadd.s32 $0x0, s7;
	[sflag:s9] =	ssyncadd.s32 $0xFFFFFC00  }
0x3f: {  	[hbm4b:s28+s3] =	stream.linear.scatter [tilespmem:s12], [sflag:$0x3], $0x800, $0x38;
	[tilespmem:$0x5000] =	vst v63  }
0x40: {  	_ =	swait.ge [sflag:s9], $0x800  }
0x41: {  	[sflag:s9] =	ssyncset.done $0x0  }
0x42: {  	s23 =	sadd.s32 $0xFFFFFF80, s8;
	[sflag:s9] =	ssyncadd.s32 $0xFFFFF800  }
0x43: {  	[hbm4b:s23+s3] =	stream.linear.scatter [tilespmem:s13], [sflag:$0x3], $0x400, $0x38;
	[tilespmem:$0x5000] =	vst v63  }
0x44: {  	_ =	swait.ge [sflag:s9], $0x400  }
0x45: {  	[sflag:s9] =	ssyncset.done $0x0  }
0x46: {  	s29 =	sadd.s32 $0x100, s28;
	[sflag:s9] =	ssyncadd.s32 $0xFFFFFC00  }
0x47: {  	[hbm4b:s29+s3] =	stream.linear.scatter [tilespmem:s14], [sflag:$0x3], $0x800, $0x38;
	[tilespmem:$0x5000] =	vst v63  }
0x48: {  	_ =	swait.ge [sflag:s9], $0x800  }
0x49: {  	[sflag:s9] =	ssyncset.done $0x0  }
0x4a: {  	[sflag:s9] =	ssyncadd.s32 $0xFFFFF800  }
0x4b: {  	[hbm4b:s8+s3] =	stream.linear.scatter [tilespmem:s15], [sflag:$0x3], $0x400, $0x38;
	[tilespmem:$0x5000] =	vst v63  }
0x4c: {  	_ =	swait.ge [sflag:s9], $0x400  }
0x4d: {  	[sflag:s9] =	ssyncset.done $0x0  }
0x4e: {  	s30 =	sadd.s32 $0x200, s28;
	[sflag:s9] =	ssyncadd.s32 $0xFFFFFC00  }
0x4f: {  	[hbm4b:s30+s3] =	stream.linear.scatter [tilespmem:s16], [sflag:$0x3], $0x800, $0x38;
	[tilespmem:$0x5000] =	vst v63  }
0x50: {  	_ =	swait.ge [sflag:s9], $0x800  }
0x51: {  	[sflag:s9] =	ssyncset.done $0x0  }
0x52: {  	s31 =	sadd.s32 $0x80, s8;
	[sflag:s9] =	ssyncadd.s32 $0xFFFFF800  }
0x53: {  	[hbm4b:s31+s3] =	stream.linear.scatter [tilespmem:s17], [sflag:$0x3], $0x400, $0x38;
	[tilespmem:$0x5000] =	vst v63  }
0x54: {  	_ =	swait.ge [sflag:s9], $0x400  }
0x55: {  	[sflag:s9] =	ssyncset.done $0x0  }
0x56: {  	s22 =	sadd.s32 $0x300, s28;
	[sflag:s9] =	ssyncadd.s32 $0xFFFFFC00  }
0x57: {  	[hbm4b:s22+s3] =	stream.linear.scatter [tilespmem:s18], [sflag:$0x3], $0x800, $0x38;
	[tilespmem:$0x5000] =	vst v63  }
0x58: {  	s24 =	simm.s32 $0x300;
	s25 =	simm.s32 $0x800;
	_ =	swait.ge [sflag:s9], $0x800  }
0x59: {  	s23 =	smov.u32 s8;
	s22 =	simm.s32 $0x400;
	[sflag:s9] =	ssyncset.done $0x0  }
.LBB2_2:
0x5a: {  	s28 =	sadd.s32 $0xFFFFFF00, s24;
	[sflag:s9] =	ssyncadd.s32 $0xFFFFF800;
	s23 =	sadd.s32 $0x200, s23  }
0x5b: {  	[tilespmem:s11], [sflag:$0x1] =	stream.indirect.gather [hbm4b:s4+s10], $0x8, s28, s10, $0xb8;
	[tilespmem:$0x5000] =	vst v63  }
0x5c: {  	p0 =	sne.s32 s25, $0x3C00;
	s26 =	smov.u32 s25;
	s25 =	sadd.s32 $0x400, s25  }
0x5d: {  	[tilespmem:s12], [sflag:$0x2] =	stream.indirect.gather [hbm4b:s2+s10], $0x10, s28, s10, $0xb8;
	[tilespmem:$0x5000] =	vst v63  }
0x5e: {  	s28 =	sadd.s32 $0xFFFFFF80, s24  }
0x5f: {  	[tilespmem:s13], [sflag:$0x1] =	stream.indirect.gather [hbm4b:s4+s10], $0x8, s28, s10, $0xb8;
	[tilespmem:$0x5000] =	vst v63  }
0x60: {  	_ = 	snop  }
0x61: {  	[tilespmem:s14], [sflag:$0x2] =	stream.indirect.gather [hbm4b:s2+s10], $0x10, s28, s10, $0xb8;
	[tilespmem:$0x5000] =	vst v63  }
0x62: {  	_ = 	snop  }
0x63: {  	[tilespmem:s15], [sflag:$0x1] =	stream.indirect.gather [hbm4b:s4+s10], $0x8, s24, s10, $0xb8;
	[tilespmem:$0x5000] =	vst v63  }
0x64: {  	_ = 	snop  }
0x65: {  	[tilespmem:s16], [sflag:$0x2] =	stream.indirect.gather [hbm4b:s2+s10], $0x10, s24, s10, $0xb8;
	[tilespmem:$0x5000] =	vst v63  }
0x66: {  	s28 =	sadd.s32 $0x80, s24  }
0x67: {  	[tilespmem:s17], [sflag:$0x1] =	stream.indirect.gather [hbm4b:s4+s10], $0x8, s28, s10, $0xb8;
	[tilespmem:$0x5000] =	vst v63  }
0x68: {  	_ = 	snop  }
0x69: {  	[tilespmem:s18], [sflag:$0x2] =	stream.indirect.gather [hbm4b:s2+s10], $0x10, s28, s10, $0xb8;
	[tilespmem:$0x5000] =	vst v63  }
0x6a: {  	_ =	swait.ge [sflag:s19], $0x400  }
0x6b: {  	[sflag:s19] =	ssyncset.done $0x0  }
0x6c: {  	[sflag:s19] =	ssyncadd.s32 $0xFFFFFC00  }
0x6d: {  	_ =	swait.ge [sflag:s20], $0x800  }
0x6e: {  	[sflag:s20] =	ssyncset.done $0x0  }
0x6f: {  	[sflag:s20] =	ssyncadd.s32 $0xFFFFF800  }
0x70: {  	_ =	swait.ge [sflag:s19], $0x400  }
0x71: {  	[sflag:s19] =	ssyncset.done $0x0  }
0x72: {  	[sflag:s19] =	ssyncadd.s32 $0xFFFFFC00  }
0x73: {  	_ =	swait.ge [sflag:s20], $0x800  }
0x74: {  	[sflag:s20] =	ssyncset.done $0x0  }
0x75: {  	[sflag:s20] =	ssyncadd.s32 $0xFFFFF800  }
0x76: {  	_ =	swait.ge [sflag:s19], $0x400  }
0x77: {  	[sflag:s19] =	ssyncset.done $0x0  }
0x78: {  	[sflag:s19] =	ssyncadd.s32 $0xFFFFFC00  }
0x79: {  	_ =	swait.ge [sflag:s20], $0x800  }
0x7a: {  	[sflag:s20] =	ssyncset.done $0x0  }
0x7b: {  	[sflag:s20] =	ssyncadd.s32 $0xFFFFF800  }
0x7c: {  	_ =	swait.ge [sflag:s19], $0x400  }
0x7d: {  	[sflag:s19] =	ssyncset.done $0x0  }
0x7e: {  	[sflag:s19] =	ssyncadd.s32 $0xFFFFFC00  }
0x7f: {  	_ =	swait.ge [sflag:s20], $0x800  }
0x80: {  	[sflag:s20] =	ssyncset.done $0x0  }
0x81: {  	s28 =	sadd.s32 $0xFFFFFF00, s23;
	[sflag:s20] =	ssyncadd.s32 $0xFFFFF800  }
0x82: {  	[hbm4b:s28+s3] =	stream.linear.scatter [tilespmem:s11], [sflag:$0x3], $0x400, $0x38;
	[tilespmem:$0x5000] =	vst v63  }
0x83: {  	_ =	swait.ge [sflag:s9], $0x400  }
0x84: {  	[sflag:s9] =	ssyncset.done $0x0  }
0x85: {  	s28 =	sadd.s32 s22, s7;
	s22 =	smov.u32 s26;
	[sflag:s9] =	ssyncadd.s32 $0xFFFFFC00  }
0x86: {  	[hbm4b:s28+s3] =	stream.linear.scatter [tilespmem:s12], [sflag:$0x3], $0x800, $0x38;
	[tilespmem:$0x5000] =	vst v63  }
0x87: {  	_ =	swait.ge [sflag:s9], $0x800  }
0x88: {  	[sflag:s9] =	ssyncset.done $0x0  }
0x89: {  	s26 =	sadd.s32 $0xFFFFFF80, s23;
	[sflag:s9] =	ssyncadd.s32 $0xFFFFF800  }
0x8a: {  	[hbm4b:s26+s3] =	stream.linear.scatter [tilespmem:s13], [sflag:$0x3], $0x400, $0x38;
	[tilespmem:$0x5000] =	vst v63  }
0x8b: {  	_ =	swait.ge [sflag:s9], $0x400  }
0x8c: {  	[sflag:s9] =	ssyncset.done $0x0  }
0x8d: {  	s26 =	sadd.s32 $0x100, s28;
	[sflag:s9] =	ssyncadd.s32 $0xFFFFFC00  }
0x8e: {  	[hbm4b:s26+s3] =	stream.linear.scatter [tilespmem:s14], [sflag:$0x3], $0x800, $0x38;
	[tilespmem:$0x5000] =	vst v63  }
0x8f: {  	_ =	swait.ge [sflag:s9], $0x800  }
0x90: {  	[sflag:s9] =	ssyncset.done $0x0  }
0x91: {  	[sflag:s9] =	ssyncadd.s32 $0xFFFFF800  }
0x92: {  	[hbm4b:s23+s3] =	stream.linear.scatter [tilespmem:s15], [sflag:$0x3], $0x400, $0x38;
	[tilespmem:$0x5000] =	vst v63  }
0x93: {  	_ =	swait.ge [sflag:s9], $0x400  }
0x94: {  	[sflag:s9] =	ssyncset.done $0x0  }
0x95: {  	s26 =	sadd.s32 $0x200, s28;
	[sflag:s9] =	ssyncadd.s32 $0xFFFFFC00  }
0x96: {  	[hbm4b:s26+s3] =	stream.linear.scatter [tilespmem:s16], [sflag:$0x3], $0x800, $0x38;
	[tilespmem:$0x5000] =	vst v63  }
0x97: {  	_ =	swait.ge [sflag:s9], $0x800  }
0x98: {  	[sflag:s9] =	ssyncset.done $0x0  }
0x99: {  	s26 =	sadd.s32 $0x80, s23;
	[sflag:s9] =	ssyncadd.s32 $0xFFFFF800  }
0x9a: {  	[hbm4b:s26+s3] =	stream.linear.scatter [tilespmem:s17], [sflag:$0x3], $0x400, $0x38;
	[tilespmem:$0x5000] =	vst v63  }
0x9b: {  	_ =	swait.ge [sflag:s9], $0x400  }
.Ltmp0:
0x9c: {  	[sflag:s9] =	ssyncset.done $0x0;
	(pc) =	sbr.rel @p0 .LBB2_2-.Ltmp0, $4  }
0x9d: {  	s26 =	sadd.s32 $0x300, s28;
	[sflag:s9] =	ssyncadd.s32 $0xFFFFFC00  }
0x9e: {  	[hbm4b:s26+s3] =	stream.linear.scatter [tilespmem:s18], [sflag:$0x3], $0x800, $0x38;
	[tilespmem:$0x5000] =	vst v63  }
0x9f: {  	_ =	swait.ge [sflag:s9], $0x800  }
0xa0: {  	s24 =	sadd.s32 $0x200, s24;
	[sflag:s9] =	ssyncset.done $0x0  }
0xa1: {  	s25 =	sadd.s32 $0xFFFFFF00, s24;
	[sflag:s9] =	ssyncadd.s32 $0xFFFFF800  }
0xa2: {  	[tilespmem:s11], [sflag:$0x1] =	stream.indirect.gather [hbm4b:s4+s10], $0x8, s25, s10, $0xb8;
	[tilespmem:$0x5000] =	vst v63  }
0xa3: {  	_ = 	snop  }
0xa4: {  	[tilespmem:s12], [sflag:$0x2] =	stream.indirect.gather [hbm4b:s2+s10], $0x10, s25, s10, $0xb8;
	[tilespmem:$0x5000] =	vst v63  }
0xa5: {  	s31 =	sadd.s32 $0xFFFFFF80, s24  }
0xa6: {  	[tilespmem:s13], [sflag:$0x1] =	stream.indirect.gather [hbm4b:s4+s10], $0x8, s31, s10, $0xb8;
	[tilespmem:$0x5000] =	vst v63  }
0xa7: {  	_ = 	snop  }
0xa8: {  	[tilespmem:s14], [sflag:$0x2] =	stream.indirect.gather [hbm4b:s2+s10], $0x10, s31, s10, $0xb8;
	[tilespmem:$0x5000] =	vst v63  }
0xa9: {  	_ = 	snop  }
0xaa: {  	[tilespmem:s15], [sflag:$0x1] =	stream.indirect.gather [hbm4b:s4+s10], $0x8, s24, s10, $0xb8;
	[tilespmem:$0x5000] =	vst v63  }
0xab: {  	_ = 	snop  }
0xac: {  	[tilespmem:s16], [sflag:$0x2] =	stream.indirect.gather [hbm4b:s2+s10], $0x10, s24, s10, $0xb8;
	[tilespmem:$0x5000] =	vst v63  }
0xad: {  	s26 =	sadd.s32 $0x80, s24  }
0xae: {  	[tilespmem:s17], [sflag:$0x1] =	stream.indirect.gather [hbm4b:s4+s10], $0x8, s26, s10, $0xb8;
	[tilespmem:$0x5000] =	vst v63  }
0xaf: {  	_ = 	snop  }
0xb0: {  	[tilespmem:s18], [sflag:$0x2] =	stream.indirect.gather [hbm4b:s2+s10], $0x10, s26, s10, $0xb8;
	[tilespmem:$0x5000] =	vst v63  }
0xb1: {  	_ =	swait.ge [sflag:s19], $0x400  }
0xb2: {  	[sflag:s19] =	ssyncset.done $0x0  }
0xb3: {  	[sflag:s19] =	ssyncadd.s32 $0xFFFFFC00  }
0xb4: {  	_ =	swait.ge [sflag:s20], $0x800  }
0xb5: {  	[sflag:s20] =	ssyncset.done $0x0  }
0xb6: {  	[sflag:s20] =	ssyncadd.s32 $0xFFFFF800  }
0xb7: {  	_ =	swait.ge [sflag:s19], $0x400  }
0xb8: {  	[sflag:s19] =	ssyncset.done $0x0  }
0xb9: {  	[sflag:s19] =	ssyncadd.s32 $0xFFFFFC00  }
0xba: {  	_ =	swait.ge [sflag:s20], $0x800  }
0xbb: {  	[sflag:s20] =	ssyncset.done $0x0  }
0xbc: {  	[sflag:s20] =	ssyncadd.s32 $0xFFFFF800  }
0xbd: {  	_ =	swait.ge [sflag:s19], $0x400  }
0xbe: {  	[sflag:s19] =	ssyncset.done $0x0  }
0xbf: {  	[sflag:s19] =	ssyncadd.s32 $0xFFFFFC00  }
0xc0: {  	_ =	swait.ge [sflag:s20], $0x800  }
0xc1: {  	[sflag:s20] =	ssyncset.done $0x0  }
0xc2: {  	[sflag:s20] =	ssyncadd.s32 $0xFFFFF800  }
0xc3: {  	_ =	swait.ge [sflag:s19], $0x400  }
0xc4: {  	[sflag:s19] =	ssyncset.done $0x0  }
0xc5: {  	[sflag:s19] =	ssyncadd.s32 $0xFFFFFC00  }
0xc6: {  	_ =	swait.ge [sflag:s20], $0x800  }
0xc7: {  	s23 =	sadd.s32 $0x200, s23;
	[sflag:s20] =	ssyncset.done $0x0  }
0xc8: {  	s28 =	sadd.s32 $0xFFFFFF00, s23;
	[sflag:s20] =	ssyncadd.s32 $0xFFFFF800  }
0xc9: {  	[hbm4b:s28+s3] =	stream.linear.scatter [tilespmem:s11], [sflag:$0x3], $0x400, $0x38;
	[tilespmem:$0x5000] =	vst v63  }
0xca: {  	_ =	swait.ge [sflag:s9], $0x400  }
0xcb: {  	[sflag:s9] =	ssyncset.done $0x0  }
0xcc: {  	s22 =	sadd.s32 s22, s7;
	[sflag:s9] =	ssyncadd.s32 $0xFFFFFC00  }
0xcd: {  	[hbm4b:s22+s3] =	stream.linear.scatter [tilespmem:s12], [sflag:$0x3], $0x800, $0x38;
	[tilespmem:$0x5000] =	vst v63  }
0xce: {  	_ =	swait.ge [sflag:s9], $0x800  }
0xcf: {  	[sflag:s9] =	ssyncset.done $0x0  }
0xd0: {  	s29 =	sadd.s32 $0xFFFFFF80, s23;
	[sflag:s9] =	ssyncadd.s32 $0xFFFFF800  }
0xd1: {  	[hbm4b:s29+s3] =	stream.linear.scatter [tilespmem:s13], [sflag:$0x3], $0x400, $0x38;
	[tilespmem:$0x5000] =	vst v63  }
0xd2: {  	_ =	swait.ge [sflag:s9], $0x400  }
0xd3: {  	[sflag:s9] =	ssyncset.done $0x0  }
0xd4: {  	s30 =	sadd.s32 $0x100, s22;
	[sflag:s9] =	ssyncadd.s32 $0xFFFFFC00  }
0xd5: {  	[hbm4b:s30+s3] =	stream.linear.scatter [tilespmem:s14], [sflag:$0x3], $0x800, $0x38;
	[tilespmem:$0x5000] =	vst v63  }
0xd6: {  	_ =	swait.ge [sflag:s9], $0x800  }
0xd7: {  	[sflag:s9] =	ssyncset.done $0x0  }
0xd8: {  	[sflag:s9] =	ssyncadd.s32 $0xFFFFF800  }
0xd9: {  	[hbm4b:s23+s3] =	stream.linear.scatter [tilespmem:s15], [sflag:$0x3], $0x400, $0x38;
	[tilespmem:$0x5000] =	vst v63  }
0xda: {  	_ =	swait.ge [sflag:s9], $0x400  }
0xdb: {  	[sflag:s9] =	ssyncset.done $0x0  }
0xdc: {  	s31 =	sadd.s32 $0x200, s22;
	[sflag:s9] =	ssyncadd.s32 $0xFFFFFC00  }
0xdd: {  	[hbm4b:s31+s3] =	stream.linear.scatter [tilespmem:s16], [sflag:$0x3], $0x800, $0x38;
	[tilespmem:$0x5000] =	vst v63  }
0xde: {  	_ =	swait.ge [sflag:s9], $0x800  }
0xdf: {  	[sflag:s9] =	ssyncset.done $0x0  }
0xe0: {  	s23 =	sadd.s32 $0x80, s23;
	[sflag:s9] =	ssyncadd.s32 $0xFFFFF800  }
0xe1: {  	[hbm4b:s23+s3] =	stream.linear.scatter [tilespmem:s17], [sflag:$0x3], $0x400, $0x38;
	[tilespmem:$0x5000] =	vst v63  }
0xe2: {  	s21 =	sadd.s32 $0x1, s21;
	_ =	swait.ge [sflag:s9], $0x400  }
0xe3: {  	p0 =	sne.s32 s21, s6;
	[sflag:s9] =	ssyncset.done $0x0  }
.Ltmp1:
0xe4: {  	s22 =	sadd.s32 $0x300, s22;
	[sflag:s9] =	ssyncadd.s32 $0xFFFFFC00;
	(pc) =	sbr.rel @p0 .LBB2_1-.Ltmp1, $4  }
0xe5: {  	[hbm4b:s22+s3] =	stream.linear.scatter [tilespmem:s18], [sflag:$0x3], $0x800, $0x38;
	[tilespmem:$0x5000] =	vst v63  }
0xe6: {  	_ =	swait.ge [sflag:s9], $0x800  }
0xe7: {  	[sflag:s9] =	ssyncset.done $0x0  }
0xe8: {  	[sflag:s9] =	ssyncadd.s32 $0xFFFFF800  }
0xe9: {  	_ =	sfence.sel $0x180000  }
0xea: {  	[bflag:$0x0] =	sbarrier.arrive $0xFFFF  }
0xeb: {  	p0 =	sne.s32 s1, $0x0;
	_ =	strace $0x90000047  }
0xec: {  	s0 =	sadd.s32 @!p0 $0x100000, s0;
	[bflag:$0x2] =	sbarrier.arrive $0xFFFF  }
0xed: {  	[sflag:s0] =	ssyncadd.tile.s32 @!p0 $0x1;
	_ =	shalt  }
.Lfunc_end2:
_tile_overlayer_lowered:
.L_overlay_start_2:
0xee: {  	(tag) =	ssettag $0x2  }
0xef: {  	s0 =	rddreg [dreg:$0x0];
	s2 =	stileid.u32  }
0xf0: {  	s1 =	rddreg [dreg:$0x1];
	p0 =	sne.s32 s2, $0x0  }
0xf1: {  	s3 =	rddreg [dreg:$0x2];
	[bflag:$0x3] =	sbarrier.arrive $0xFFFF;
	s2 =	simm.s32 @!p0 $0x1C03  }
0xf2: {  	[timem:s3], [sflag:s2] =	dma.local @!p0 [hbm:s0], s1  }
0xf3: {  	s0 =	simm.s32 @!p0 $0x3  }
0xf4: {  	_ =	swait.ge @!p0 [sflag:s0], s1  }
0xf5: {  	s1 =	ssub.s32 @!p0 $0x0, s1;
	[sflag:s0] =	ssyncset.done @!p0 $0x0  }
0xf6: {  	[sflag:s0] =	ssyncadd.s32 @!p0 s1  }
0xf7: {  	[bflag:$0x3] =	sbarrier.arrive $0xFFFF  }
0xf8: {  	_ =	shalt  }

</sc_bundles>
